<compile_context>
chip_gen: v7x
topology: tpu7x:2x2x1
jax: 0.10.2.dev20260603
libtpu: 0.0.44.dev20260713+nightly
codegen_flags: <defaults>
</compile_context>

<pallas_src>
import functools

import jax
import jax.numpy as jnp
from jax import lax
from jax.experimental import pallas as pl
from jax.experimental.pallas import tpu as pltpu
from jax.experimental.pallas import tpu_sc as plsc

N_ROWS = 16384
L = 16
NC, NS = 2, 16
NW = NC * NS
RPW = N_ROWS // NW
GROUPS = RPW // L
CHUNK = 128
NCHUNK = RPW // CHUNK
TILE = 128
TPW = RPW // TILE


def _ifull(v):
    return jnp.full((L,), v, jnp.int32)


_mesh = plsc.VectorSubcoreMesh(core_axis_name="c", subcore_axis_name="s")


@functools.partial(
    pl.kernel,
    mesh=_mesh,
    out_type=jax.ShapeDtypeStruct((N_ROWS // TILE * 4, TILE), jnp.float32),
    compiler_params=pltpu.CompilerParams(
        needs_layout_passes=False, use_tc_tiling_on_sc=False
    ),
    scratch_types=[
        pltpu.VMEM((NCHUNK, CHUNK), jnp.int32),
        pltpu.VMEM((RPW, L), jnp.float32),
        pltpu.VMEM((TPW * 4, TILE), jnp.float32),
        pltpu.SemaphoreType.DMA,
        pltpu.SemaphoreType.DMA,
        pltpu.SemaphoreType.DMA,
        pltpu.SemaphoreType.DMA,
    ],
)
def _select_deepjets(x_hbm, out_hbm, idx_v, jets_v, out_v, *sems):
    wid = lax.axis_index("s") * NC + lax.axis_index("c")
    base = wid * RPW
    iota = lax.iota(jnp.int32, L)

    @pl.loop(0, NCHUNK)
    def _fill(j):
        @pl.loop(0, CHUNK // L)
        def _fill16(k):
            idx_v[j, pl.ds(k * L, L)] = (base + j * CHUNK + k * L + iota) * 8

    copies = []
    for j in range(NCHUNK):
        copies.append(
            pltpu.make_async_copy(
                x_hbm.at[idx_v.at[j]],
                jets_v.at[pl.ds(j * CHUNK, CHUNK)],
                sems[j],
            )
        )
    for c in copies:
        c.start()

    col4, col5, col6, col7 = _ifull(4), _ifull(5), _ifull(6), _ifull(7)
    gpc = CHUNK // L

    for j in range(NCHUNK):
        copies[j].wait()

        @pl.loop(j * gpc, (j + 1) * gpc)
        def _group(g):
            ridx = iota + g * L
            b = plsc.load_gather(jets_v, [ridx, col4])
            cvb = plsc.load_gather(jets_v, [ridx, col5])
            cvl = plsc.load_gather(jets_v, [ridx, col6])
            qg = plsc.load_gather(jets_v, [ridx, col7])
            c = b / (1.0 / cvb - 1.0)
            t = c / cvl - c
            tl = g // (TILE // L)
            r_off = (g % (TILE // L)) * L
            out_v[tl * 4 + 0, pl.ds(r_off, L)] = b
            out_v[tl * 4 + 1, pl.ds(r_off, L)] = c
            out_v[tl * 4 + 2, pl.ds(r_off, L)] = (1.0 - qg) * t
            out_v[tl * 4 + 3, pl.ds(r_off, L)] = qg * t

    pltpu.sync_copy(out_v, out_hbm.at[pl.ds(TPW * 4 * wid, TPW * 4)])


def kernel(x):
    xt = x.reshape(N_ROWS * 8, L)
    out = _select_deepjets(xt)
    return (
        out.reshape(N_ROWS // TILE, 4, TILE)
        .transpose(0, 2, 1)
        .reshape(N_ROWS, 4)
    )

# --- scband reference (transcript-rebuilt; emitter-appended) ---
"""Pipeline reference for scband-select-deep-jets-34351148434110 (READ-ONLY COPY).

The authoritative reference and input builder live on the scoring server;
editing this copy changes nothing except your own understanding.
"""

import jax, jax.numpy as jnp
import numpy as np

DEEPJET_INDICES = jnp.array([4, 5, 6, 7], dtype=jnp.int32)


def setup_inputs(seed: int = 0) -> dict:
    key = jax.random.key(seed)
    # fill=rand -> uniform [0,1); values are probabilities/discriminants so (0,1) is the
    # physically meaningful range (CvB, CvL, QG are probability ratios in (0,1)).
    x = jax.random.uniform(key, (16384, 128), dtype=jnp.float32)
    return {"x": x}


def reference(x):
    # torch.index_select(x, 1, deepjetindices)
    thedeepjets = jnp.take(x, DEEPJET_INDICES, axis=1)
    # sigmoidtransform=False -> skip
    # nanotransform=True:
    B = thedeepjets[:, 0:1]
    CvB = thedeepjets[:, 1:2]
    CvL = thedeepjets[:, 2:3]
    QG = thedeepjets[:, 3:4]
    C = B / (1.0 / CvB - 1.0)
    out = jnp.concatenate(
        (B, C, (1.0 - QG) * (C / CvL - C), QG * (C / CvL - C)), axis=1
    )
    return out

if __name__ == "__main__":
    import jax
    _d = setup_inputs()
    print(jax.jit(kernel)(*tuple(_d.values())))

</pallas_src>

<mosaic_0001>
#map = affine_map<(d0, d1) -> (0, 0)>
module attributes {stable_mosaic.version = 14 : i64} {
  func.func @_select_deepjets(%arg0: i32, %arg1: i32, %arg2: memref<131072x16xf32, #tpu.memory_space<hbm>>, %arg3: memref<512x128xf32, #tpu.memory_space<hbm>>, %arg4: memref<4x128xi32, #tpu.memory_space<vmem>>, %arg5: memref<512x16xf32, #tpu.memory_space<vmem>>, %arg6: memref<16x128xf32, #tpu.memory_space<vmem>>, %arg7: memref<!tpu.dma_semaphore, #tpu.memory_space<semaphore_mem>>, %arg8: memref<!tpu.dma_semaphore, #tpu.memory_space<semaphore_mem>>, %arg9: memref<!tpu.dma_semaphore, #tpu.memory_space<semaphore_mem>>, %arg10: memref<!tpu.dma_semaphore, #tpu.memory_space<semaphore_mem>>) attributes {dimension_semantics = [#tpu.dimension_semantics<core_parallel>, #tpu.dimension_semantics<subcore_parallel>], iteration_bounds = array<i64: 2, 16>, scalar_prefetch = 0 : i64, scratch_operands = 7 : i64, tpu.core_type = #tpu.core_type<sc_vector_subcore>, window_params = [{transform_indices = #map}, {transform_indices = #map}]} {
    %mul3A = arith.constant 2 : i32
    %mul3A_0 = arith.muli %arg1, %mul3A : i32
    %add3A = arith.addi %mul3A_0, %arg0 : i32
    %mul3A_1 = arith.constant 512 : i32
    %mul3A_2 = arith.muli %add3A, %mul3A_1 : i32
    %iota3A = tpu.iota {dimensions = array<i32: 0>} : vector<16xi32>
    %scan3A = arith.constant 0 : i32
    %scan3A_3 = arith.constant 4 : i32
    %scan3A_4 = arith.addi %scan3A, %scan3A_3 : i32
    %scan3A_5 = arith.constant 1 : i32
    scf.for %scan3A_114 = %scan3A to %scan3A_4 step %scan3A_5  : i32 {
      %mul3A_115 = arith.constant 1 : i32
      %mul3A_116 = arith.muli %scan3A_114, %mul3A_115 : i32
      %add3A_117 = arith.constant 0 : i32
      %add3A_118 = arith.addi %add3A_117, %mul3A_116 : i32
      %scan3A_119 = arith.constant 0 : i32
      %scan3A_120 = arith.constant 8 : i32
      %scan3A_121 = arith.addi %scan3A_119, %scan3A_120 : i32
      %scan3A_122 = arith.constant 1 : i32
      scf.for %scan3A_124 = %scan3A_119 to %scan3A_121 step %scan3A_122  : i32 {
        %mul3A_125 = arith.constant 1 : i32
        %mul3A_126 = arith.muli %scan3A_124, %mul3A_125 : i32
        %add3A_127 = arith.constant 0 : i32
        %add3A_128 = arith.addi %add3A_127, %mul3A_126 : i32
        %mul3A_129 = arith.constant 128 : i32
        %mul3A_130 = arith.muli %add3A_118, %mul3A_129 : i32
        %add3A_131 = arith.addi %mul3A_2, %mul3A_130 : i32
        %mul3A_132 = arith.constant 16 : i32
        %mul3A_133 = arith.muli %add3A_128, %mul3A_132 : i32
        %add3A_134 = arith.addi %add3A_131, %mul3A_133 : i32
        %add3A_135 = vector.broadcast %add3A_134 : i32 to vector<16xi32>
        %add3A_136 = arith.addi %add3A_135, %iota3A : vector<16xi32>
        %mul3A_137 = arith.constant 8 : i32
        %mul3A_138 = vector.broadcast %mul3A_137 : i32 to vector<16xi32>
        %mul3A_139 = arith.muli %add3A_136, %mul3A_138 : vector<16xi32>
        %mul3A_140 = arith.constant 16 : i32
        %mul3A_141 = arith.muli %add3A_128, %mul3A_140 : i32
        %swap3A = arith.index_cast %add3A_118 : i32 to index
        %swap3A_142 = arith.index_cast %mul3A_141 : i32 to index
        %swap3A_143 = tpu.vector_load %arg4[%swap3A, %swap3A_142] {strides = array<i32>} : memref<4x128xi32, #tpu.memory_space<vmem>>, vector<16xi32>,
        tpu.vector_store %arg4[%swap3A, %swap3A_142], %mul3A_139 {strides = array<i32>} : memref<4x128xi32, #tpu.memory_space<vmem>>, vector<16xi32>,
      }
      %scan3A_123 = arith.constant 8 : i32
    }
    %scan3A_6 = arith.constant 4 : i32
    %dma_start3A = arith.constant 0 : i32
    %dma_start3A_7 = arith.constant 0 : i32
    %dma_start3A_8 = arith.constant 0 : i32
    %dma_start3A_9 = tpu.memref_slice %arg5[%dma_start3A_7, %dma_start3A_8] : memref<512x16xf32, #tpu.memory_space<vmem>> -> memref<128x16xf32, #tpu.memory_space<vmem>>
    %dma_start3A_10 = arith.constant 0 : i32
    %dma_start3A_11 = tpu.memref_slice %arg4[%dma_start3A, %dma_start3A_10] : memref<4x128xi32, #tpu.memory_space<vmem>> -> memref<1x128xi32, #tpu.memory_space<vmem>>
    %dma_start3A_12 = tpu.memref_squeeze %dma_start3A_11 : memref<1x128xi32, #tpu.memory_space<vmem>> -> memref<128xi32, #tpu.memory_space<vmem>>
    %dma_start3A_13 = arith.constant 0 : i32
    %dma_start3A_14 = arith.constant 0 : i32
    %dma_start3A_15 = tpu.memref_slice %arg2[%dma_start3A_13, %dma_start3A_14] : memref<131072x16xf32, #tpu.memory_space<hbm>> -> memref<131072x16xf32, #tpu.memory_space<hbm>>
    tpu.enqueue_indirect_dma source(%dma_start3A_15 : memref<131072x16xf32, #tpu.memory_space<hbm>>) target(%dma_start3A_9 : memref<128x16xf32, #tpu.memory_space<vmem>>) offsets(%dma_start3A_12 : memref<128xi32, #tpu.memory_space<vmem>>) semaphore(%arg7 : memref<!tpu.dma_semaphore, #tpu.memory_space<semaphore_mem>>)
    %dma_start3A_16 = arith.constant 1 : i32
    %dma_start3A_17 = arith.constant 128 : i32
    %dma_start3A_18 = arith.constant 0 : i32
    %dma_start3A_19 = tpu.memref_slice %arg5[%dma_start3A_17, %dma_start3A_18] : memref<512x16xf32, #tpu.memory_space<vmem>> -> memref<128x16xf32, #tpu.memory_space<vmem>>
    %dma_start3A_20 = arith.constant 0 : i32
    %dma_start3A_21 = tpu.memref_slice %arg4[%dma_start3A_16, %dma_start3A_20] : memref<4x128xi32, #tpu.memory_space<vmem>> -> memref<1x128xi32, #tpu.memory_space<vmem>>
    %dma_start3A_22 = tpu.memref_squeeze %dma_start3A_21 : memref<1x128xi32, #tpu.memory_space<vmem>> -> memref<128xi32, #tpu.memory_space<vmem>>
    %dma_start3A_23 = arith.constant 0 : i32
    %dma_start3A_24 = arith.constant 0 : i32
    %dma_start3A_25 = tpu.memref_slice %arg2[%dma_start3A_23, %dma_start3A_24] : memref<131072x16xf32, #tpu.memory_space<hbm>> -> memref<131072x16xf32, #tpu.memory_space<hbm>>
    tpu.enqueue_indirect_dma source(%dma_start3A_25 : memref<131072x16xf32, #tpu.memory_space<hbm>>) target(%dma_start3A_19 : memref<128x16xf32, #tpu.memory_space<vmem>>) offsets(%dma_start3A_22 : memref<128xi32, #tpu.memory_space<vmem>>) semaphore(%arg8 : memref<!tpu.dma_semaphore, #tpu.memory_space<semaphore_mem>>)
    %dma_start3A_26 = arith.constant 2 : i32
    %dma_start3A_27 = arith.constant 256 : i32
    %dma_start3A_28 = arith.constant 0 : i32
    %dma_start3A_29 = tpu.memref_slice %arg5[%dma_start3A_27, %dma_start3A_28] : memref<512x16xf32, #tpu.memory_space<vmem>> -> memref<128x16xf32, #tpu.memory_space<vmem>>
    %dma_start3A_30 = arith.constant 0 : i32
    %dma_start3A_31 = tpu.memref_slice %arg4[%dma_start3A_26, %dma_start3A_30] : memref<4x128xi32, #tpu.memory_space<vmem>> -> memref<1x128xi32, #tpu.memory_space<vmem>>
    %dma_start3A_32 = tpu.memref_squeeze %dma_start3A_31 : memref<1x128xi32, #tpu.memory_space<vmem>> -> memref<128xi32, #tpu.memory_space<vmem>>
    %dma_start3A_33 = arith.constant 0 : i32
    %dma_start3A_34 = arith.constant 0 : i32
    %dma_start3A_35 = tpu.memref_slice %arg2[%dma_start3A_33, %dma_start3A_34] : memref<131072x16xf32, #tpu.memory_space<hbm>> -> memref<131072x16xf32, #tpu.memory_space<hbm>>
    tpu.enqueue_indirect_dma source(%dma_start3A_35 : memref<131072x16xf32, #tpu.memory_space<hbm>>) target(%dma_start3A_29 : memref<128x16xf32, #tpu.memory_space<vmem>>) offsets(%dma_start3A_32 : memref<128xi32, #tpu.memory_space<vmem>>) semaphore(%arg9 : memref<!tpu.dma_semaphore, #tpu.memory_space<semaphore_mem>>)
    %dma_start3A_36 = arith.constant 3 : i32
    %dma_start3A_37 = arith.constant 384 : i32
    %dma_start3A_38 = arith.constant 0 : i32
    %dma_start3A_39 = tpu.memref_slice %arg5[%dma_start3A_37, %dma_start3A_38] : memref<512x16xf32, #tpu.memory_space<vmem>> -> memref<128x16xf32, #tpu.memory_space<vmem>>
    %dma_start3A_40 = arith.constant 0 : i32
    %dma_start3A_41 = tpu.memref_slice %arg4[%dma_start3A_36, %dma_start3A_40] : memref<4x128xi32, #tpu.memory_space<vmem>> -> memref<1x128xi32, #tpu.memory_space<vmem>>
    %dma_start3A_42 = tpu.memref_squeeze %dma_start3A_41 : memref<1x128xi32, #tpu.memory_space<vmem>> -> memref<128xi32, #tpu.memory_space<vmem>>
    %dma_start3A_43 = arith.constant 0 : i32
    %dma_start3A_44 = arith.constant 0 : i32
    %dma_start3A_45 = tpu.memref_slice %arg2[%dma_start3A_43, %dma_start3A_44] : memref<131072x16xf32, #tpu.memory_space<hbm>> -> memref<131072x16xf32, #tpu.memory_space<hbm>>
    tpu.enqueue_indirect_dma source(%dma_start3A_45 : memref<131072x16xf32, #tpu.memory_space<hbm>>) target(%dma_start3A_39 : memref<128x16xf32, #tpu.memory_space<vmem>>) offsets(%dma_start3A_42 : memref<128xi32, #tpu.memory_space<vmem>>) semaphore(%arg10 : memref<!tpu.dma_semaphore, #tpu.memory_space<semaphore_mem>>)
    %broadcast_in_dim3A = arith.constant 4 : i32
    %broadcast_in_dim3A_46 = vector.broadcast %broadcast_in_dim3A : i32 to vector<16xi32>
    %broadcast_in_dim3A_47 = arith.constant 5 : i32
    %broadcast_in_dim3A_48 = vector.broadcast %broadcast_in_dim3A_47 : i32 to vector<16xi32>
    %broadcast_in_dim3A_49 = arith.constant 6 : i32
    %broadcast_in_dim3A_50 = vector.broadcast %broadcast_in_dim3A_49 : i32 to vector<16xi32>
    %broadcast_in_dim3A_51 = arith.constant 7 : i32
    %broadcast_in_dim3A_52 = vector.broadcast %broadcast_in_dim3A_51 : i32 to vector<16xi32>
    %dma_wait3A = arith.constant 0 : i32
    %dma_wait3A_53 = arith.constant 0 : i32
    %dma_wait3A_54 = arith.constant 0 : i32
    %dma_wait3A_55 = tpu.memref_slice %arg5[%dma_wait3A_53, %dma_wait3A_54] : memref<512x16xf32, #tpu.memory_space<vmem>> -> memref<128x16xf32, #tpu.memory_space<vmem>>
    %dma_wait3A_56 = arith.constant 0 : i32
    %dma_wait3A_57 = tpu.memref_slice %arg4[%dma_wait3A, %dma_wait3A_56] : memref<4x128xi32, #tpu.memory_space<vmem>> -> memref<1x128xi32, #tpu.memory_space<vmem>>
    %dma_wait3A_58 = tpu.memref_squeeze %dma_wait3A_57 : memref<1x128xi32, #tpu.memory_space<vmem>> -> memref<128xi32, #tpu.memory_space<vmem>>
    %dma_wait3A_59 = arith.constant 0 : i32
    %dma_wait3A_60 = arith.constant 0 : i32
    %dma_wait3A_61 = tpu.memref_slice %arg2[%dma_wait3A_59, %dma_wait3A_60] : memref<131072x16xf32, #tpu.memory_space<hbm>> -> memref<131072x16xf32, #tpu.memory_space<hbm>>
    tpu.wait_indirect_dma semaphore(%arg7 : memref<!tpu.dma_semaphore, #tpu.memory_space<semaphore_mem>>) src(%dma_wait3A_61 : memref<131072x16xf32, #tpu.memory_space<hbm>>) dst(%dma_wait3A_55 : memref<128x16xf32, #tpu.memory_space<vmem>>)
    %scan3A_62 = arith.constant 0 : i32
    %scan3A_63 = arith.constant 8 : i32
    %scan3A_64 = arith.addi %scan3A_62, %scan3A_63 : i32
    %scan3A_65 = arith.constant 1 : i32
    scf.for %scan3A_114 = %scan3A_62 to %scan3A_64 step %scan3A_65  : i32 {
      %mul3A_115 = arith.constant 1 : i32
      %mul3A_116 = arith.muli %scan3A_114, %mul3A_115 : i32
      %add3A_117 = arith.constant 0 : i32
      %add3A_118 = arith.addi %add3A_117, %mul3A_116 : i32
      %mul3A_119 = arith.constant 16 : i32
      %mul3A_120 = arith.muli %add3A_118, %mul3A_119 : i32
      %add3A_121 = vector.broadcast %mul3A_120 : i32 to vector<16xi32>
      %add3A_122 = arith.addi %iota3A, %add3A_121 : vector<16xi32>
      %gather3A = tpu.vector_load_idx %arg5[%add3A_122, %broadcast_in_dim3A_46] : memref<512x16xf32, #tpu.memory_space<vmem>>[vector<16xi32>, vector<16xi32>], vector<16xf32>,
      %gather3A_123 = tpu.vector_load_idx %arg5[%add3A_122, %broadcast_in_dim3A_48] : memref<512x16xf32, #tpu.memory_space<vmem>>[vector<16xi32>, vector<16xi32>], vector<16xf32>,
      %gather3A_124 = tpu.vector_load_idx %arg5[%add3A_122, %broadcast_in_dim3A_50] : memref<512x16xf32, #tpu.memory_space<vmem>>[vector<16xi32>, vector<16xi32>], vector<16xf32>,
      %gather3A_125 = tpu.vector_load_idx %arg5[%add3A_122, %broadcast_in_dim3A_52] : memref<512x16xf32, #tpu.memory_space<vmem>>[vector<16xi32>, vector<16xi32>], vector<16xf32>,
      %div3A = arith.constant 1.000000e+00 : f32
      %div3A_126 = vector.broadcast %div3A : f32 to vector<16xf32>
      %div3A_127 = arith.divf %div3A_126, %gather3A_123 : vector<16xf32>
      %sub3A = arith.constant 1.000000e+00 : f32
      %sub3A_128 = vector.broadcast %sub3A : f32 to vector<16xf32>
      %sub3A_129 = arith.subf %div3A_127, %sub3A_128 : vector<16xf32>
      %div3A_130 = arith.divf %gather3A, %sub3A_129 : vector<16xf32>
      %div3A_131 = arith.divf %div3A_130, %gather3A_124 : vector<16xf32>
      %sub3A_132 = arith.subf %div3A_131, %div3A_130 : vector<16xf32>
      %jit3A = arith.constant 8 : i32
      %div3A_133 = arith.divsi %add3A_118, %jit3A : i32
      %sign3A = arith.constant 0 : i32
      %sign3A_134 = arith.cmpi sgt, %add3A_118, %sign3A : i32
      %sign3A_135 = arith.extui %sign3A_134 : i1 to i32
      %sign3A_136 = arith.constant 0 : i32
      %sign3A_137 = arith.cmpi slt, %add3A_118, %sign3A_136 : i32
      %sign3A_138 = arith.extui %sign3A_137 : i1 to i32
      %sign3A_139 = arith.subi %sign3A_135, %sign3A_138 : i32
      %sign3A_140 = arith.constant 0 : i32
      %sign3A_141 = arith.cmpi sgt, %jit3A, %sign3A_140 : i32
      %sign3A_142 = arith.extui %sign3A_141 : i1 to i32
      %sign3A_143 = arith.constant 0 : i32
      %sign3A_144 = arith.cmpi slt, %jit3A, %sign3A_143 : i32
      %sign3A_145 = arith.extui %sign3A_144 : i1 to i32
      %sign3A_146 = arith.subi %sign3A_142, %sign3A_145 : i32
      %ne3A = arith.cmpi ne, %sign3A_139, %sign3A_146 : i32
      %rem3A = arith.remsi %add3A_118, %jit3A : i32
      %ne3A_147 = arith.constant 0 : i32
      %ne3A_148 = arith.cmpi ne, %rem3A, %ne3A_147 : i32
      %and3A = arith.andi %ne3A, %ne3A_148 : i1
      %sub3A_149 = arith.constant 1 : i32
      %sub3A_150 = arith.subi %div3A_133, %sub3A_149 : i32
      %select_n3A = arith.select %and3A, %sub3A_150, %div3A_133 : i32
      %jit3A_151 = arith.constant 8 : i32
      %eq3A = arith.constant 0 : i32
      %eq3A_152 = arith.cmpi eq, %jit3A_151, %eq3A : i32
      %jit3A_153 = arith.constant 1 : i32
      %select_n3A_154 = arith.select %eq3A_152, %jit3A_153, %jit3A_151 : i32
      %rem3A_155 = arith.remsi %add3A_118, %select_n3A_154 : i32
      %ne3A_156 = arith.constant 0 : i32
      %ne3A_157 = arith.cmpi ne, %rem3A_155, %ne3A_156 : i32
      %lt3A = arith.constant 0 : i32
      %lt3A_158 = arith.cmpi slt, %rem3A_155, %lt3A : i32
      %lt3A_159 = arith.constant 0 : i32
      %lt3A_160 = arith.cmpi slt, %select_n3A_154, %lt3A_159 : i32
      %ne3A_161 = arith.xori %lt3A_158, %lt3A_160 : i1
      %and3A_162 = arith.andi %ne3A_161, %ne3A_157 : i1
      %add3A_163 = arith.addi %rem3A_155, %select_n3A_154 : i32
      %select_n3A_164 = arith.select %and3A_162, %add3A_163, %rem3A_155 : i32
      %mul3A_165 = arith.constant 16 : i32
      %mul3A_166 = arith.muli %select_n3A_164, %mul3A_165 : i32
      %mul3A_167 = arith.constant 4 : i32
      %mul3A_168 = arith.muli %select_n3A, %mul3A_167 : i32
      %add3A_169 = arith.constant 0 : i32
      %add3A_170 = arith.addi %mul3A_168, %add3A_169 : i32
      %swap3A = arith.index_cast %add3A_170 : i32 to index
      %swap3A_171 = arith.index_cast %mul3A_166 : i32 to index
      %swap3A_172 = tpu.vector_load %arg6[%swap3A, %swap3A_171] {strides = array<i32>} : memref<16x128xf32, #tpu.memory_space<vmem>>, vector<16xf32>,
      tpu.vector_store %arg6[%swap3A, %swap3A_171], %gather3A {strides = array<i32>} : memref<16x128xf32, #tpu.memory_space<vmem>>, vector<16xf32>,
      %mul3A_173 = arith.constant 4 : i32
      %mul3A_174 = arith.muli %select_n3A, %mul3A_173 : i32
      %add3A_175 = arith.constant 1 : i32
      %add3A_176 = arith.addi %mul3A_174, %add3A_175 : i32
      %swap3A_177 = arith.index_cast %add3A_176 : i32 to index
      %swap3A_178 = arith.index_cast %mul3A_166 : i32 to index
      %swap3A_179 = tpu.vector_load %arg6[%swap3A_177, %swap3A_178] {strides = array<i32>} : memref<16x128xf32, #tpu.memory_space<vmem>>, vector<16xf32>,
      tpu.vector_store %arg6[%swap3A_177, %swap3A_178], %div3A_130 {strides = array<i32>} : memref<16x128xf32, #tpu.memory_space<vmem>>, vector<16xf32>,
      %sub3A_180 = arith.constant 1.000000e+00 : f32
      %sub3A_181 = vector.broadcast %sub3A_180 : f32 to vector<16xf32>
      %sub3A_182 = arith.subf %sub3A_181, %gather3A_125 : vector<16xf32>
      %mul3A_183 = arith.mulf %sub3A_182, %sub3A_132 : vector<16xf32>
      %mul3A_184 = arith.constant 4 : i32
      %mul3A_185 = arith.muli %select_n3A, %mul3A_184 : i32
      %add3A_186 = arith.constant 2 : i32
      %add3A_187 = arith.addi %mul3A_185, %add3A_186 : i32
      %swap3A_188 = arith.index_cast %add3A_187 : i32 to index
      %swap3A_189 = arith.index_cast %mul3A_166 : i32 to index
      %swap3A_190 = tpu.vector_load %arg6[%swap3A_188, %swap3A_189] {strides = array<i32>} : memref<16x128xf32, #tpu.memory_space<vmem>>, vector<16xf32>,
      tpu.vector_store %arg6[%swap3A_188, %swap3A_189], %mul3A_183 {strides = array<i32>} : memref<16x128xf32, #tpu.memory_space<vmem>>, vector<16xf32>,
      %mul3A_191 = arith.mulf %gather3A_125, %sub3A_132 : vector<16xf32>
      %mul3A_192 = arith.constant 4 : i32
      %mul3A_193 = arith.muli %select_n3A, %mul3A_192 : i32
      %add3A_194 = arith.constant 3 : i32
      %add3A_195 = arith.addi %mul3A_193, %add3A_194 : i32
      %swap3A_196 = arith.index_cast %add3A_195 : i32 to index
      %swap3A_197 = arith.index_cast %mul3A_166 : i32 to index
      %swap3A_198 = tpu.vector_load %arg6[%swap3A_196, %swap3A_197] {strides = array<i32>} : memref<16x128xf32, #tpu.memory_space<vmem>>, vector<16xf32>,
      tpu.vector_store %arg6[%swap3A_196, %swap3A_197], %mul3A_191 {strides = array<i32>} : memref<16x128xf32, #tpu.memory_space<vmem>>, vector<16xf32>,
    }
    %scan3A_66 = arith.constant 8 : i32
    %dma_wait3A_67 = arith.constant 1 : i32
    %dma_wait3A_68 = arith.constant 128 : i32
    %dma_wait3A_69 = arith.constant 0 : i32
    %dma_wait3A_70 = tpu.memref_slice %arg5[%dma_wait3A_68, %dma_wait3A_69] : memref<512x16xf32, #tpu.memory_space<vmem>> -> memref<128x16xf32, #tpu.memory_space<vmem>>
    %dma_wait3A_71 = arith.constant 0 : i32
    %dma_wait3A_72 = tpu.memref_slice %arg4[%dma_wait3A_67, %dma_wait3A_71] : memref<4x128xi32, #tpu.memory_space<vmem>> -> memref<1x128xi32, #tpu.memory_space<vmem>>
    %dma_wait3A_73 = tpu.memref_squeeze %dma_wait3A_72 : memref<1x128xi32, #tpu.memory_space<vmem>> -> memref<128xi32, #tpu.memory_space<vmem>>
    %dma_wait3A_74 = arith.constant 0 : i32
    %dma_wait3A_75 = arith.constant 0 : i32
    %dma_wait3A_76 = tpu.memref_slice %arg2[%dma_wait3A_74, %dma_wait3A_75] : memref<131072x16xf32, #tpu.memory_space<hbm>> -> memref<131072x16xf32, #tpu.memory_space<hbm>>
    tpu.wait_indirect_dma semaphore(%arg8 : memref<!tpu.dma_semaphore, #tpu.memory_space<semaphore_mem>>) src(%dma_wait3A_76 : memref<131072x16xf32, #tpu.memory_space<hbm>>) dst(%dma_wait3A_70 : memref<128x16xf32, #tpu.memory_space<vmem>>)
    %scan3A_77 = arith.constant 0 : i32
    %scan3A_78 = arith.constant 8 : i32
    %scan3A_79 = arith.addi %scan3A_77, %scan3A_78 : i32
    %scan3A_80 = arith.constant 1 : i32
    scf.for %scan3A_114 = %scan3A_77 to %scan3A_79 step %scan3A_80  : i32 {
      %mul3A_115 = arith.constant 1 : i32
      %mul3A_116 = arith.muli %scan3A_114, %mul3A_115 : i32
      %add3A_117 = arith.constant 8 : i32
      %add3A_118 = arith.addi %add3A_117, %mul3A_116 : i32
      %mul3A_119 = arith.constant 16 : i32
      %mul3A_120 = arith.muli %add3A_118, %mul3A_119 : i32
      %add3A_121 = vector.broadcast %mul3A_120 : i32 to vector<16xi32>
      %add3A_122 = arith.addi %iota3A, %add3A_121 : vector<16xi32>
      %gather3A = tpu.vector_load_idx %arg5[%add3A_122, %broadcast_in_dim3A_46] : memref<512x16xf32, #tpu.memory_space<vmem>>[vector<16xi32>, vector<16xi32>], vector<16xf32>,
      %gather3A_123 = tpu.vector_load_idx %arg5[%add3A_122, %broadcast_in_dim3A_48] : memref<512x16xf32, #tpu.memory_space<vmem>>[vector<16xi32>, vector<16xi32>], vector<16xf32>,
      %gather3A_124 = tpu.vector_load_idx %arg5[%add3A_122, %broadcast_in_dim3A_50] : memref<512x16xf32, #tpu.memory_space<vmem>>[vector<16xi32>, vector<16xi32>], vector<16xf32>,
      %gather3A_125 = tpu.vector_load_idx %arg5[%add3A_122, %broadcast_in_dim3A_52] : memref<512x16xf32, #tpu.memory_space<vmem>>[vector<16xi32>, vector<16xi32>], vector<16xf32>,
      %div3A = arith.constant 1.000000e+00 : f32
      %div3A_126 = vector.broadcast %div3A : f32 to vector<16xf32>
      %div3A_127 = arith.divf %div3A_126, %gather3A_123 : vector<16xf32>
      %sub3A = arith.constant 1.000000e+00 : f32
      %sub3A_128 = vector.broadcast %sub3A : f32 to vector<16xf32>
      %sub3A_129 = arith.subf %div3A_127, %sub3A_128 : vector<16xf32>
      %div3A_130 = arith.divf %gather3A, %sub3A_129 : vector<16xf32>
      %div3A_131 = arith.divf %div3A_130, %gather3A_124 : vector<16xf32>
      %sub3A_132 = arith.subf %div3A_131, %div3A_130 : vector<16xf32>
      %jit3A = arith.constant 8 : i32
      %div3A_133 = arith.divsi %add3A_118, %jit3A : i32
      %sign3A = arith.constant 0 : i32
      %sign3A_134 = arith.cmpi sgt, %add3A_118, %sign3A : i32
      %sign3A_135 = arith.extui %sign3A_134 : i1 to i32
      %sign3A_136 = arith.constant 0 : i32
      %sign3A_137 = arith.cmpi slt, %add3A_118, %sign3A_136 : i32
      %sign3A_138 = arith.extui %sign3A_137 : i1 to i32
      %sign3A_139 = arith.subi %sign3A_135, %sign3A_138 : i32
      %sign3A_140 = arith.constant 0 : i32
      %sign3A_141 = arith.cmpi sgt, %jit3A, %sign3A_140 : i32
      %sign3A_142 = arith.extui %sign3A_141 : i1 to i32
      %sign3A_143 = arith.constant 0 : i32
      %sign3A_144 = arith.cmpi slt, %jit3A, %sign3A_143 : i32
      %sign3A_145 = arith.extui %sign3A_144 : i1 to i32
      %sign3A_146 = arith.subi %sign3A_142, %sign3A_145 : i32
      %ne3A = arith.cmpi ne, %sign3A_139, %sign3A_146 : i32
      %rem3A = arith.remsi %add3A_118, %jit3A : i32
      %ne3A_147 = arith.constant 0 : i32
      %ne3A_148 = arith.cmpi ne, %rem3A, %ne3A_147 : i32
      %and3A = arith.andi %ne3A, %ne3A_148 : i1
      %sub3A_149 = arith.constant 1 : i32
      %sub3A_150 = arith.subi %div3A_133, %sub3A_149 : i32
      %select_n3A = arith.select %and3A, %sub3A_150, %div3A_133 : i32
      %jit3A_151 = arith.constant 8 : i32
      %eq3A = arith.constant 0 : i32
      %eq3A_152 = arith.cmpi eq, %jit3A_151, %eq3A : i32
      %jit3A_153 = arith.constant 1 : i32
      %select_n3A_154 = arith.select %eq3A_152, %jit3A_153, %jit3A_151 : i32
      %rem3A_155 = arith.remsi %add3A_118, %select_n3A_154 : i32
      %ne3A_156 = arith.constant 0 : i32
      %ne3A_157 = arith.cmpi ne, %rem3A_155, %ne3A_156 : i32
      %lt3A = arith.constant 0 : i32
      %lt3A_158 = arith.cmpi slt, %rem3A_155, %lt3A : i32
      %lt3A_159 = arith.constant 0 : i32
      %lt3A_160 = arith.cmpi slt, %select_n3A_154, %lt3A_159 : i32
      %ne3A_161 = arith.xori %lt3A_158, %lt3A_160 : i1
      %and3A_162 = arith.andi %ne3A_161, %ne3A_157 : i1
      %add3A_163 = arith.addi %rem3A_155, %select_n3A_154 : i32
      %select_n3A_164 = arith.select %and3A_162, %add3A_163, %rem3A_155 : i32
      %mul3A_165 = arith.constant 16 : i32
      %mul3A_166 = arith.muli %select_n3A_164, %mul3A_165 : i32
      %mul3A_167 = arith.constant 4 : i32
      %mul3A_168 = arith.muli %select_n3A, %mul3A_167 : i32
      %add3A_169 = arith.constant 0 : i32
      %add3A_170 = arith.addi %mul3A_168, %add3A_169 : i32
      %swap3A = arith.index_cast %add3A_170 : i32 to index
      %swap3A_171 = arith.index_cast %mul3A_166 : i32 to index
      %swap3A_172 = tpu.vector_load %arg6[%swap3A, %swap3A_171] {strides = array<i32>} : memref<16x128xf32, #tpu.memory_space<vmem>>, vector<16xf32>,
      tpu.vector_store %arg6[%swap3A, %swap3A_171], %gather3A {strides = array<i32>} : memref<16x128xf32, #tpu.memory_space<vmem>>, vector<16xf32>,
      %mul3A_173 = arith.constant 4 : i32
      %mul3A_174 = arith.muli %select_n3A, %mul3A_173 : i32
      %add3A_175 = arith.constant 1 : i32
      %add3A_176 = arith.addi %mul3A_174, %add3A_175 : i32
      %swap3A_177 = arith.index_cast %add3A_176 : i32 to index
      %swap3A_178 = arith.index_cast %mul3A_166 : i32 to index
      %swap3A_179 = tpu.vector_load %arg6[%swap3A_177, %swap3A_178] {strides = array<i32>} : memref<16x128xf32, #tpu.memory_space<vmem>>, vector<16xf32>,
      tpu.vector_store %arg6[%swap3A_177, %swap3A_178], %div3A_130 {strides = array<i32>} : memref<16x128xf32, #tpu.memory_space<vmem>>, vector<16xf32>,
      %sub3A_180 = arith.constant 1.000000e+00 : f32
      %sub3A_181 = vector.broadcast %sub3A_180 : f32 to vector<16xf32>
      %sub3A_182 = arith.subf %sub3A_181, %gather3A_125 : vector<16xf32>
      %mul3A_183 = arith.mulf %sub3A_182, %sub3A_132 : vector<16xf32>
      %mul3A_184 = arith.constant 4 : i32
      %mul3A_185 = arith.muli %select_n3A, %mul3A_184 : i32
      %add3A_186 = arith.constant 2 : i32
      %add3A_187 = arith.addi %mul3A_185, %add3A_186 : i32
      %swap3A_188 = arith.index_cast %add3A_187 : i32 to index
      %swap3A_189 = arith.index_cast %mul3A_166 : i32 to index
      %swap3A_190 = tpu.vector_load %arg6[%swap3A_188, %swap3A_189] {strides = array<i32>} : memref<16x128xf32, #tpu.memory_space<vmem>>, vector<16xf32>,
      tpu.vector_store %arg6[%swap3A_188, %swap3A_189], %mul3A_183 {strides = array<i32>} : memref<16x128xf32, #tpu.memory_space<vmem>>, vector<16xf32>,
      %mul3A_191 = arith.mulf %gather3A_125, %sub3A_132 : vector<16xf32>
      %mul3A_192 = arith.constant 4 : i32
      %mul3A_193 = arith.muli %select_n3A, %mul3A_192 : i32
      %add3A_194 = arith.constant 3 : i32
      %add3A_195 = arith.addi %mul3A_193, %add3A_194 : i32
      %swap3A_196 = arith.index_cast %add3A_195 : i32 to index
      %swap3A_197 = arith.index_cast %mul3A_166 : i32 to index
      %swap3A_198 = tpu.vector_load %arg6[%swap3A_196, %swap3A_197] {strides = array<i32>} : memref<16x128xf32, #tpu.memory_space<vmem>>, vector<16xf32>,
      tpu.vector_store %arg6[%swap3A_196, %swap3A_197], %mul3A_191 {strides = array<i32>} : memref<16x128xf32, #tpu.memory_space<vmem>>, vector<16xf32>,
    }
    %scan3A_81 = arith.constant 8 : i32
    %dma_wait3A_82 = arith.constant 2 : i32
    %dma_wait3A_83 = arith.constant 256 : i32
    %dma_wait3A_84 = arith.constant 0 : i32
    %dma_wait3A_85 = tpu.memref_slice %arg5[%dma_wait3A_83, %dma_wait3A_84] : memref<512x16xf32, #tpu.memory_space<vmem>> -> memref<128x16xf32, #tpu.memory_space<vmem>>
    %dma_wait3A_86 = arith.constant 0 : i32
    %dma_wait3A_87 = tpu.memref_slice %arg4[%dma_wait3A_82, %dma_wait3A_86] : memref<4x128xi32, #tpu.memory_space<vmem>> -> memref<1x128xi32, #tpu.memory_space<vmem>>
    %dma_wait3A_88 = tpu.memref_squeeze %dma_wait3A_87 : memref<1x128xi32, #tpu.memory_space<vmem>> -> memref<128xi32, #tpu.memory_space<vmem>>
    %dma_wait3A_89 = arith.constant 0 : i32
    %dma_wait3A_90 = arith.constant 0 : i32
    %dma_wait3A_91 = tpu.memref_slice %arg2[%dma_wait3A_89, %dma_wait3A_90] : memref<131072x16xf32, #tpu.memory_space<hbm>> -> memref<131072x16xf32, #tpu.memory_space<hbm>>
    tpu.wait_indirect_dma semaphore(%arg9 : memref<!tpu.dma_semaphore, #tpu.memory_space<semaphore_mem>>) src(%dma_wait3A_91 : memref<131072x16xf32, #tpu.memory_space<hbm>>) dst(%dma_wait3A_85 : memref<128x16xf32, #tpu.memory_space<vmem>>)
    %scan3A_92 = arith.constant 0 : i32
    %scan3A_93 = arith.constant 8 : i32
    %scan3A_94 = arith.addi %scan3A_92, %scan3A_93 : i32
    %scan3A_95 = arith.constant 1 : i32
    scf.for %scan3A_114 = %scan3A_92 to %scan3A_94 step %scan3A_95  : i32 {
      %mul3A_115 = arith.constant 1 : i32
      %mul3A_116 = arith.muli %scan3A_114, %mul3A_115 : i32
      %add3A_117 = arith.constant 16 : i32
      %add3A_118 = arith.addi %add3A_117, %mul3A_116 : i32
      %mul3A_119 = arith.constant 16 : i32
      %mul3A_120 = arith.muli %add3A_118, %mul3A_119 : i32
      %add3A_121 = vector.broadcast %mul3A_120 : i32 to vector<16xi32>
      %add3A_122 = arith.addi %iota3A, %add3A_121 : vector<16xi32>
      %gather3A = tpu.vector_load_idx %arg5[%add3A_122, %broadcast_in_dim3A_46] : memref<512x16xf32, #tpu.memory_space<vmem>>[vector<16xi32>, vector<16xi32>], vector<16xf32>,
      %gather3A_123 = tpu.vector_load_idx %arg5[%add3A_122, %broadcast_in_dim3A_48] : memref<512x16xf32, #tpu.memory_space<vmem>>[vector<16xi32>, vector<16xi32>], vector<16xf32>,
      %gather3A_124 = tpu.vector_load_idx %arg5[%add3A_122, %broadcast_in_dim3A_50] : memref<512x16xf32, #tpu.memory_space<vmem>>[vector<16xi32>, vector<16xi32>], vector<16xf32>,
      %gather3A_125 = tpu.vector_load_idx %arg5[%add3A_122, %broadcast_in_dim3A_52] : memref<512x16xf32, #tpu.memory_space<vmem>>[vector<16xi32>, vector<16xi32>], vector<16xf32>,
      %div3A = arith.constant 1.000000e+00 : f32
      %div3A_126 = vector.broadcast %div3A : f32 to vector<16xf32>
      %div3A_127 = arith.divf %div3A_126, %gather3A_123 : vector<16xf32>
      %sub3A = arith.constant 1.000000e+00 : f32
      %sub3A_128 = vector.broadcast %sub3A : f32 to vector<16xf32>
      %sub3A_129 = arith.subf %div3A_127, %sub3A_128 : vector<16xf32>
      %div3A_130 = arith.divf %gather3A, %sub3A_129 : vector<16xf32>
      %div3A_131 = arith.divf %div3A_130, %gather3A_124 : vector<16xf32>
      %sub3A_132 = arith.subf %div3A_131, %div3A_130 : vector<16xf32>
      %jit3A = arith.constant 8 : i32
      %div3A_133 = arith.divsi %add3A_118, %jit3A : i32
      %sign3A = arith.constant 0 : i32
      %sign3A_134 = arith.cmpi sgt, %add3A_118, %sign3A : i32
      %sign3A_135 = arith.extui %sign3A_134 : i1 to i32
      %sign3A_136 = arith.constant 0 : i32
      %sign3A_137 = arith.cmpi slt, %add3A_118, %sign3A_136 : i32
      %sign3A_138 = arith.extui %sign3A_137 : i1 to i32
      %sign3A_139 = arith.subi %sign3A_135, %sign3A_138 : i32
      %sign3A_140 = arith.constant 0 : i32
      %sign3A_141 = arith.cmpi sgt, %jit3A, %sign3A_140 : i32
      %sign3A_142 = arith.extui %sign3A_141 : i1 to i32
      %sign3A_143 = arith.constant 0 : i32
      %sign3A_144 = arith.cmpi slt, %jit3A, %sign3A_143 : i32
      %sign3A_145 = arith.extui %sign3A_144 : i1 to i32
      %sign3A_146 = arith.subi %sign3A_142, %sign3A_145 : i32
      %ne3A = arith.cmpi ne, %sign3A_139, %sign3A_146 : i32
      %rem3A = arith.remsi %add3A_118, %jit3A : i32
      %ne3A_147 = arith.constant 0 : i32
      %ne3A_148 = arith.cmpi ne, %rem3A, %ne3A_147 : i32
      %and3A = arith.andi %ne3A, %ne3A_148 : i1
      %sub3A_149 = arith.constant 1 : i32
      %sub3A_150 = arith.subi %div3A_133, %sub3A_149 : i32
      %select_n3A = arith.select %and3A, %sub3A_150, %div3A_133 : i32
      %jit3A_151 = arith.constant 8 : i32
      %eq3A = arith.constant 0 : i32
      %eq3A_152 = arith.cmpi eq, %jit3A_151, %eq3A : i32
      %jit3A_153 = arith.constant 1 : i32
      %select_n3A_154 = arith.select %eq3A_152, %jit3A_153, %jit3A_151 : i32
      %rem3A_155 = arith.remsi %add3A_118, %select_n3A_154 : i32
      %ne3A_156 = arith.constant 0 : i32
      %ne3A_157 = arith.cmpi ne, %rem3A_155, %ne3A_156 : i32
      %lt3A = arith.constant 0 : i32
      %lt3A_158 = arith.cmpi slt, %rem3A_155, %lt3A : i32
      %lt3A_159 = arith.constant 0 : i32
      %lt3A_160 = arith.cmpi slt, %select_n3A_154, %lt3A_159 : i32
      %ne3A_161 = arith.xori %lt3A_158, %lt3A_160 : i1
      %and3A_162 = arith.andi %ne3A_161, %ne3A_157 : i1
      %add3A_163 = arith.addi %rem3A_155, %select_n3A_154 : i32
      %select_n3A_164 = arith.select %and3A_162, %add3A_163, %rem3A_155 : i32
      %mul3A_165 = arith.constant 16 : i32
      %mul3A_166 = arith.muli %select_n3A_164, %mul3A_165 : i32
      %mul3A_167 = arith.constant 4 : i32
      %mul3A_168 = arith.muli %select_n3A, %mul3A_167 : i32
      %add3A_169 = arith.constant 0 : i32
      %add3A_170 = arith.addi %mul3A_168, %add3A_169 : i32
      %swap3A = arith.index_cast %add3A_170 : i32 to index
      %swap3A_171 = arith.index_cast %mul3A_166 : i32 to index
      %swap3A_172 = tpu.vector_load %arg6[%swap3A, %swap3A_171] {strides = array<i32>} : memref<16x128xf32, #tpu.memory_space<vmem>>, vector<16xf32>,
      tpu.vector_store %arg6[%swap3A, %swap3A_171], %gather3A {strides = array<i32>} : memref<16x128xf32, #tpu.memory_space<vmem>>, vector<16xf32>,
      %mul3A_173 = arith.constant 4 : i32
      %mul3A_174 = arith.muli %select_n3A, %mul3A_173 : i32
      %add3A_175 = arith.constant 1 : i32
      %add3A_176 = arith.addi %mul3A_174, %add3A_175 : i32
      %swap3A_177 = arith.index_cast %add3A_176 : i32 to index
      %swap3A_178 = arith.index_cast %mul3A_166 : i32 to index
      %swap3A_179 = tpu.vector_load %arg6[%swap3A_177, %swap3A_178] {strides = array<i32>} : memref<16x128xf32, #tpu.memory_space<vmem>>, vector<16xf32>,
      tpu.vector_store %arg6[%swap3A_177, %swap3A_178], %div3A_130 {strides = array<i32>} : memref<16x128xf32, #tpu.memory_space<vmem>>, vector<16xf32>,
      %sub3A_180 = arith.constant 1.000000e+00 : f32
      %sub3A_181 = vector.broadcast %sub3A_180 : f32 to vector<16xf32>
      %sub3A_182 = arith.subf %sub3A_181, %gather3A_125 : vector<16xf32>
      %mul3A_183 = arith.mulf %sub3A_182, %sub3A_132 : vector<16xf32>
      %mul3A_184 = arith.constant 4 : i32
      %mul3A_185 = arith.muli %select_n3A, %mul3A_184 : i32
      %add3A_186 = arith.constant 2 : i32
      %add3A_187 = arith.addi %mul3A_185, %add3A_186 : i32
      %swap3A_188 = arith.index_cast %add3A_187 : i32 to index
      %swap3A_189 = arith.index_cast %mul3A_166 : i32 to index
      %swap3A_190 = tpu.vector_load %arg6[%swap3A_188, %swap3A_189] {strides = array<i32>} : memref<16x128xf32, #tpu.memory_space<vmem>>, vector<16xf32>,
      tpu.vector_store %arg6[%swap3A_188, %swap3A_189], %mul3A_183 {strides = array<i32>} : memref<16x128xf32, #tpu.memory_space<vmem>>, vector<16xf32>,
      %mul3A_191 = arith.mulf %gather3A_125, %sub3A_132 : vector<16xf32>
      %mul3A_192 = arith.constant 4 : i32
      %mul3A_193 = arith.muli %select_n3A, %mul3A_192 : i32
      %add3A_194 = arith.constant 3 : i32
      %add3A_195 = arith.addi %mul3A_193, %add3A_194 : i32
      %swap3A_196 = arith.index_cast %add3A_195 : i32 to index
      %swap3A_197 = arith.index_cast %mul3A_166 : i32 to index
      %swap3A_198 = tpu.vector_load %arg6[%swap3A_196, %swap3A_197] {strides = array<i32>} : memref<16x128xf32, #tpu.memory_space<vmem>>, vector<16xf32>,
      tpu.vector_store %arg6[%swap3A_196, %swap3A_197], %mul3A_191 {strides = array<i32>} : memref<16x128xf32, #tpu.memory_space<vmem>>, vector<16xf32>,
    }
    %scan3A_96 = arith.constant 8 : i32
    %dma_wait3A_97 = arith.constant 3 : i32
    %dma_wait3A_98 = arith.constant 384 : i32
    %dma_wait3A_99 = arith.constant 0 : i32
    %dma_wait3A_100 = tpu.memref_slice %arg5[%dma_wait3A_98, %dma_wait3A_99] : memref<512x16xf32, #tpu.memory_space<vmem>> -> memref<128x16xf32, #tpu.memory_space<vmem>>
    %dma_wait3A_101 = arith.constant 0 : i32
    %dma_wait3A_102 = tpu.memref_slice %arg4[%dma_wait3A_97, %dma_wait3A_101] : memref<4x128xi32, #tpu.memory_space<vmem>> -> memref<1x128xi32, #tpu.memory_space<vmem>>
    %dma_wait3A_103 = tpu.memref_squeeze %dma_wait3A_102 : memref<1x128xi32, #tpu.memory_space<vmem>> -> memref<128xi32, #tpu.memory_space<vmem>>
    %dma_wait3A_104 = arith.constant 0 : i32
    %dma_wait3A_105 = arith.constant 0 : i32
    %dma_wait3A_106 = tpu.memref_slice %arg2[%dma_wait3A_104, %dma_wait3A_105] : memref<131072x16xf32, #tpu.memory_space<hbm>> -> memref<131072x16xf32, #tpu.memory_space<hbm>>
    tpu.wait_indirect_dma semaphore(%arg10 : memref<!tpu.dma_semaphore, #tpu.memory_space<semaphore_mem>>) src(%dma_wait3A_106 : memref<131072x16xf32, #tpu.memory_space<hbm>>) dst(%dma_wait3A_100 : memref<128x16xf32, #tpu.memory_space<vmem>>)
    %scan3A_107 = arith.constant 0 : i32
    %scan3A_108 = arith.constant 8 : i32
    %scan3A_109 = arith.addi %scan3A_107, %scan3A_108 : i32
    %scan3A_110 = arith.constant 1 : i32
    scf.for %scan3A_114 = %scan3A_107 to %scan3A_109 step %scan3A_110  : i32 {
      %mul3A_115 = arith.constant 1 : i32
      %mul3A_116 = arith.muli %scan3A_114, %mul3A_115 : i32
      %add3A_117 = arith.constant 24 : i32
      %add3A_118 = arith.addi %add3A_117, %mul3A_116 : i32
      %mul3A_119 = arith.constant 16 : i32
      %mul3A_120 = arith.muli %add3A_118, %mul3A_119 : i32
      %add3A_121 = vector.broadcast %mul3A_120 : i32 to vector<16xi32>
      %add3A_122 = arith.addi %iota3A, %add3A_121 : vector<16xi32>
      %gather3A = tpu.vector_load_idx %arg5[%add3A_122, %broadcast_in_dim3A_46] : memref<512x16xf32, #tpu.memory_space<vmem>>[vector<16xi32>, vector<16xi32>], vector<16xf32>,
      %gather3A_123 = tpu.vector_load_idx %arg5[%add3A_122, %broadcast_in_dim3A_48] : memref<512x16xf32, #tpu.memory_space<vmem>>[vector<16xi32>, vector<16xi32>], vector<16xf32>,
      %gather3A_124 = tpu.vector_load_idx %arg5[%add3A_122, %broadcast_in_dim3A_50] : memref<512x16xf32, #tpu.memory_space<vmem>>[vector<16xi32>, vector<16xi32>], vector<16xf32>,
      %gather3A_125 = tpu.vector_load_idx %arg5[%add3A_122, %broadcast_in_dim3A_52] : memref<512x16xf32, #tpu.memory_space<vmem>>[vector<16xi32>, vector<16xi32>], vector<16xf32>,
      %div3A = arith.constant 1.000000e+00 : f32
      %div3A_126 = vector.broadcast %div3A : f32 to vector<16xf32>
      %div3A_127 = arith.divf %div3A_126, %gather3A_123 : vector<16xf32>
      %sub3A = arith.constant 1.000000e+00 : f32
      %sub3A_128 = vector.broadcast %sub3A : f32 to vector<16xf32>
      %sub3A_129 = arith.subf %div3A_127, %sub3A_128 : vector<16xf32>
      %div3A_130 = arith.divf %gather3A, %sub3A_129 : vector<16xf32>
      %div3A_131 = arith.divf %div3A_130, %gather3A_124 : vector<16xf32>
      %sub3A_132 = arith.subf %div3A_131, %div3A_130 : vector<16xf32>
      %jit3A = arith.constant 8 : i32
      %div3A_133 = arith.divsi %add3A_118, %jit3A : i32
      %sign3A = arith.constant 0 : i32
      %sign3A_134 = arith.cmpi sgt, %add3A_118, %sign3A : i32
      %sign3A_135 = arith.extui %sign3A_134 : i1 to i32
      %sign3A_136 = arith.constant 0 : i32
      %sign3A_137 = arith.cmpi slt, %add3A_118, %sign3A_136 : i32
      %sign3A_138 = arith.extui %sign3A_137 : i1 to i32
      %sign3A_139 = arith.subi %sign3A_135, %sign3A_138 : i32
      %sign3A_140 = arith.constant 0 : i32
      %sign3A_141 = arith.cmpi sgt, %jit3A, %sign3A_140 : i32
      %sign3A_142 = arith.extui %sign3A_141 : i1 to i32
      %sign3A_143 = arith.constant 0 : i32
      %sign3A_144 = arith.cmpi slt, %jit3A, %sign3A_143 : i32
      %sign3A_145 = arith.extui %sign3A_144 : i1 to i32
      %sign3A_146 = arith.subi %sign3A_142, %sign3A_145 : i32
      %ne3A = arith.cmpi ne, %sign3A_139, %sign3A_146 : i32
      %rem3A = arith.remsi %add3A_118, %jit3A : i32
      %ne3A_147 = arith.constant 0 : i32
      %ne3A_148 = arith.cmpi ne, %rem3A, %ne3A_147 : i32
      %and3A = arith.andi %ne3A, %ne3A_148 : i1
      %sub3A_149 = arith.constant 1 : i32
      %sub3A_150 = arith.subi %div3A_133, %sub3A_149 : i32
      %select_n3A = arith.select %and3A, %sub3A_150, %div3A_133 : i32
      %jit3A_151 = arith.constant 8 : i32
      %eq3A = arith.constant 0 : i32
      %eq3A_152 = arith.cmpi eq, %jit3A_151, %eq3A : i32
      %jit3A_153 = arith.constant 1 : i32
      %select_n3A_154 = arith.select %eq3A_152, %jit3A_153, %jit3A_151 : i32
      %rem3A_155 = arith.remsi %add3A_118, %select_n3A_154 : i32
      %ne3A_156 = arith.constant 0 : i32
      %ne3A_157 = arith.cmpi ne, %rem3A_155, %ne3A_156 : i32
      %lt3A = arith.constant 0 : i32
      %lt3A_158 = arith.cmpi slt, %rem3A_155, %lt3A : i32
      %lt3A_159 = arith.constant 0 : i32
      %lt3A_160 = arith.cmpi slt, %select_n3A_154, %lt3A_159 : i32
      %ne3A_161 = arith.xori %lt3A_158, %lt3A_160 : i1
      %and3A_162 = arith.andi %ne3A_161, %ne3A_157 : i1
      %add3A_163 = arith.addi %rem3A_155, %select_n3A_154 : i32
      %select_n3A_164 = arith.select %and3A_162, %add3A_163, %rem3A_155 : i32
      %mul3A_165 = arith.constant 16 : i32
      %mul3A_166 = arith.muli %select_n3A_164, %mul3A_165 : i32
      %mul3A_167 = arith.constant 4 : i32
      %mul3A_168 = arith.muli %select_n3A, %mul3A_167 : i32
      %add3A_169 = arith.constant 0 : i32
      %add3A_170 = arith.addi %mul3A_168, %add3A_169 : i32
      %swap3A = arith.index_cast %add3A_170 : i32 to index
      %swap3A_171 = arith.index_cast %mul3A_166 : i32 to index
      %swap3A_172 = tpu.vector_load %arg6[%swap3A, %swap3A_171] {strides = array<i32>} : memref<16x128xf32, #tpu.memory_space<vmem>>, vector<16xf32>,
      tpu.vector_store %arg6[%swap3A, %swap3A_171], %gather3A {strides = array<i32>} : memref<16x128xf32, #tpu.memory_space<vmem>>, vector<16xf32>,
      %mul3A_173 = arith.constant 4 : i32
      %mul3A_174 = arith.muli %select_n3A, %mul3A_173 : i32
      %add3A_175 = arith.constant 1 : i32
      %add3A_176 = arith.addi %mul3A_174, %add3A_175 : i32
      %swap3A_177 = arith.index_cast %add3A_176 : i32 to index
      %swap3A_178 = arith.index_cast %mul3A_166 : i32 to index
      %swap3A_179 = tpu.vector_load %arg6[%swap3A_177, %swap3A_178] {strides = array<i32>} : memref<16x128xf32, #tpu.memory_space<vmem>>, vector<16xf32>,
      tpu.vector_store %arg6[%swap3A_177, %swap3A_178], %div3A_130 {strides = array<i32>} : memref<16x128xf32, #tpu.memory_space<vmem>>, vector<16xf32>,
      %sub3A_180 = arith.constant 1.000000e+00 : f32
      %sub3A_181 = vector.broadcast %sub3A_180 : f32 to vector<16xf32>
      %sub3A_182 = arith.subf %sub3A_181, %gather3A_125 : vector<16xf32>
      %mul3A_183 = arith.mulf %sub3A_182, %sub3A_132 : vector<16xf32>
      %mul3A_184 = arith.constant 4 : i32
      %mul3A_185 = arith.muli %select_n3A, %mul3A_184 : i32
      %add3A_186 = arith.constant 2 : i32
      %add3A_187 = arith.addi %mul3A_185, %add3A_186 : i32
      %swap3A_188 = arith.index_cast %add3A_187 : i32 to index
      %swap3A_189 = arith.index_cast %mul3A_166 : i32 to index
      %swap3A_190 = tpu.vector_load %arg6[%swap3A_188, %swap3A_189] {strides = array<i32>} : memref<16x128xf32, #tpu.memory_space<vmem>>, vector<16xf32>,
      tpu.vector_store %arg6[%swap3A_188, %swap3A_189], %mul3A_183 {strides = array<i32>} : memref<16x128xf32, #tpu.memory_space<vmem>>, vector<16xf32>,
      %mul3A_191 = arith.mulf %gather3A_125, %sub3A_132 : vector<16xf32>
      %mul3A_192 = arith.constant 4 : i32
      %mul3A_193 = arith.muli %select_n3A, %mul3A_192 : i32
      %add3A_194 = arith.constant 3 : i32
      %add3A_195 = arith.addi %mul3A_193, %add3A_194 : i32
      %swap3A_196 = arith.index_cast %add3A_195 : i32 to index
      %swap3A_197 = arith.index_cast %mul3A_166 : i32 to index
      %swap3A_198 = tpu.vector_load %arg6[%swap3A_196, %swap3A_197] {strides = array<i32>} : memref<16x128xf32, #tpu.memory_space<vmem>>, vector<16xf32>,
      tpu.vector_store %arg6[%swap3A_196, %swap3A_197], %mul3A_191 {strides = array<i32>} : memref<16x128xf32, #tpu.memory_space<vmem>>, vector<16xf32>,
    }
    %scan3A_111 = arith.constant 8 : i32
    %mul3A_112 = arith.constant 16 : i32
    %mul3A_113 = arith.muli %mul3A_112, %add3A : i32
    "tpu.region"() ({
      %run_scoped3A = tpu.sem_alloc : memref<!tpu.dma_semaphore, #tpu.memory_space<semaphore_mem>>
      %dma_start3A_114 = arith.constant 0 : i32
      %dma_start3A_115 = tpu.memref_slice %arg3[%mul3A_113, %dma_start3A_114] : memref<512x128xf32, #tpu.memory_space<hbm>> -> memref<16x128xf32, #tpu.memory_space<hbm>>
      %dma_start3A_116 = arith.constant 0 : i32
      %dma_start3A_117 = tpu.memref_slice %arg3[%mul3A_113, %dma_start3A_116] : memref<512x128xf32, #tpu.memory_space<hbm>> -> memref<16x128xf32, #tpu.memory_space<hbm>>
      tpu.enqueue_dma source(%arg6 : memref<16x128xf32, #tpu.memory_space<vmem>>) target(%dma_start3A_117 : memref<16x128xf32, #tpu.memory_space<hbm>>) target_semaphore(%run_scoped3A : memref<!tpu.dma_semaphore, #tpu.memory_space<semaphore_mem>>)
      %dma_wait3A_118 = arith.constant 0 : i32
      %dma_wait3A_119 = tpu.memref_slice %arg3[%mul3A_113, %dma_wait3A_118] : memref<512x128xf32, #tpu.memory_space<hbm>> -> memref<16x128xf32, #tpu.memory_space<hbm>>
      %dma_wait3A_120 = arith.constant 0 : i32
      %dma_wait3A_121 = tpu.memref_slice %arg3[%mul3A_113, %dma_wait3A_120] : memref<512x128xf32, #tpu.memory_space<hbm>> -> memref<16x128xf32, #tpu.memory_space<hbm>>
      tpu.wait_dma2 semaphore(%run_scoped3A : memref<!tpu.dma_semaphore, #tpu.memory_space<semaphore_mem>>) src(%arg6 : memref<16x128xf32, #tpu.memory_space<vmem>>) dst(%dma_wait3A_121 : memref<16x128xf32, #tpu.memory_space<hbm>>)
      tpu.yield
    }) : () -> ()
    return
  }
}

</mosaic_0001>

<sc_bundles>
// kernel: kernel.3.cloned.1.call-start
scs
__scs_entry_jumppad:
0x0: {  	(pc) =	sbr.rel $0x88, $3  }
0x1: {  	(tag) =	ssettag $0x0;
	lr =	simm.s32 $0x1  }
0x2: {  	[smem:$0x3FA0] =	sst lr;
	_ =	strace $0xD0000000  }
0x3: {  	_ = 	snop  }
0x4: {  	_ = 	snop  }
0x5: {  	_ = 	snop  }
0x6: {  	_ = 	snop  }
0x7: {  	_ = 	snop  }
__scs_overlays_trampoline_lowered:
0x8: {  	[smem:$0x3FAF] =	sst s0  }
0x9: {  	[smem:$0x3FB0] =	sst s1  }
0xa: {  	[smem:$0x3FB1] =	sst s2  }
0xb: {  	[smem:$0x3FB2] =	sst s3  }
0xc: {  	[smem:$0x3FB3] =	sst s4  }
0xd: {  	[smem:$0x3FB4] =	sst s5  }
0xe: {  	[smem:$0x3FB5] =	sst s6  }
0xf: {  	[smem:$0x3FB6] =	sst s7  }
0x10: {  	[smem:$0x3FB7] =	sst s8  }
0x11: {  	[smem:$0x3FB8] =	sst s9;
	s0 =	simm.s32 @!p0 $0x0  }
0x12: {  	s1 =	sld [smem:$0x3F9E];
	s0 =	simm.s32 @p0 $0x1  }
0x13: {  	[smem:$0x3FB9] =	sst s0;
	s0 =	simm.s32 @!p1 $0x0  }
0x14: {  	s2 =	sld [smem:$0x3F9D];
	s0 =	simm.s32 @p1 $0x1  }
0x15: {  	[smem:$0x3FBA] =	sst s0;
	s0 =	simm.s32 @!p2 $0x0  }
0x16: {  	s3 =	sld [smem:$0x3FDB];
	s0 =	simm.s32 @p2 $0x1  }
0x17: {  	s4 =	simm.s32 $0x1BF5;
	[smem:$0x3FBC] =	sst s0  }
0x18: {  	s0 =	sld [smem:$0x3F9F];
	_ =	swait.ge [sflag:s4], $0x0  }
0x19: {  	s7 =	sld [smem:$0x3FA0]  }
0x1a: {  	s8 =	sadd.s32 $0xFFFFE003, lr  }
0x1b: {  	s9 =	sadd.s32 $0xFFFFFEF7, lr;
	s5 =	simm.s32 $0xFFFFFFFF;
	p2 =	slt.u32 s8, $0xFFFFF086  }
0x1c: {  	p1 =	slt.u32 s9, $0xF7A;
	s5 =	simm.s32 @!p2 $0x0  }
0x1d: {  	s5 =	simm.s32 @p1 $0x1;
	p0 =	seq.s32 s7, s2  }
0x1e: {  	s7 =	smul.u32 @!p0 $0xF7A, s2;
	p2 =	seq.s32 @!p0 s5, $0x0  }
0x1f: {  	s9 =	smul.u32 $0xF7A, s1;
	s8 =	simm.s32 @!p0 $0x1BF5;
	p2 =	por !p2, p0  }
0x20: {  	[sflag:s8] =	ssyncset.s32 @!p0 $0xFFFFF086;
	s6 =	sadd.s32 @!p0 s3, s7;
	s7 =	simm.s32 @!p0 $0x108  }
0x21: {  	s3 =	sadd.s32 s3, s9;
	s6 =	sadd.s32 @!p0 $0x88, s6;
	s7 =	simm.s32 @p2 $0x1082  }
0x22: {  	[simem:s7], [sflag:s8] =	dma.local @!p0 [hbm:s6], $0xF7A  }
0x23: {  	s9 =	sor.u32 $0xD0000000, s2;
	s6 =	simm.s32 $0x108;
	_ =	swait.ge @!p0 [sflag:s8], $0x0  }
0x24: {  	s3 =	sadd.s32 $0x88, s3;
	s6 =	simm.s32 @!p1 $0x1082;
	[sflag:s4] =	ssyncset.s32 $0xFFFFF086  }
0x25: {  	[simem:s6], [sflag:s4] =	dma.local [hbm:s3], $0xF7A  }
0x26: {  	[smem:$0x3FA0] =	sst s1;
	(tag) =	ssettag s2;
	_ =	strace s9  }
0x27: {  	s1 =	sld [smem:$0x3FB0]  }
0x28: {  	s2 =	sld [smem:$0x3FB1]  }
0x29: {  	s4 =	sld [smem:$0x3FB3]  }
0x2a: {  	p0 =	seq.s32 s5, $0x0;
	s5 =	sld [smem:$0x3FB4]  }
0x2b: {  	s6 =	sld [smem:$0x3FB5]  }
0x2c: {  	s7 =	sld [smem:$0x3FB6]  }
0x2d: {  	s3 =	simm.s32 $0x108;
	s8 =	sld [smem:$0x3FB7]  }
0x2e: {  	s3 =	simm.s32 @!p0 $0x1082;
	s9 =	sld [smem:$0x3FB8]  }
0x2f: {  	lr =	sadd.s32 s0, s3;
	s0 =	sld [smem:$0x3FAF]  }
0x30: {  	s3 =	sld [smem:$0x3FB2]  }
0x31: {  	[smem:$0x3FBB] =	sst s10  }
0x32: {  	s10 =	sld [smem:$0x3FB9];
	_ =	sdelay $0x3  }
0x33: {  	p0 =	seq.s32 s10, $0x1;
	s10 =	sld [smem:$0x3FBB];
	_ =	sdelay $0x3  }
0x34: {  	[smem:$0x3FBB] =	sst s10  }
0x35: {  	s10 =	sld [smem:$0x3FBA];
	_ =	sdelay $0x3  }
0x36: {  	p1 =	seq.s32 s10, $0x1;
	s10 =	sld [smem:$0x3FBB];
	_ =	sdelay $0x3  }
0x37: {  	[smem:$0x3FBB] =	sst s10  }
0x38: {  	s10 =	sld [smem:$0x3FBC]  }
0x39: {  	_ = 	snop;
	(pc) =	sbr.ind lr, $3  }
0x3a: {  	_ = 	snop  }
0x3b: {  	_ = 	snop  }
0x3c: {  	p2 =	seq.s32 s10, $0x1;
	s10 =	sld [smem:$0x3FBB]  }
0x3d: {  	_ =	shalt  }
0x3e: {  	_ =	shalt  }
0x3f: {  	_ =	shalt  }
0x40: {  	_ =	shalt  }
0x41: {  	_ =	shalt  }
0x42: {  	_ =	shalt  }
0x43: {  	_ =	shalt  }
0x44: {  	_ =	shalt  }
0x45: {  	_ =	shalt  }
0x46: {  	_ =	shalt  }
0x47: {  	_ =	shalt  }
0x48: {  	_ =	shalt  }
0x49: {  	_ =	shalt  }
0x4a: {  	_ =	shalt  }
0x4b: {  	_ =	shalt  }
0x4c: {  	_ =	shalt  }
0x4d: {  	_ =	shalt  }
0x4e: {  	_ =	shalt  }
0x4f: {  	_ =	shalt  }
0x50: {  	_ =	shalt  }
0x51: {  	_ =	shalt  }
0x52: {  	_ =	shalt  }
0x53: {  	_ =	shalt  }
0x54: {  	_ =	shalt  }
0x55: {  	_ =	shalt  }
0x56: {  	_ =	shalt  }
0x57: {  	_ =	shalt  }
0x58: {  	_ =	shalt  }
0x59: {  	_ =	shalt  }
0x5a: {  	_ =	shalt  }
0x5b: {  	_ =	shalt  }
0x5c: {  	_ =	shalt  }
0x5d: {  	_ =	shalt  }
0x5e: {  	_ =	shalt  }
0x5f: {  	_ =	shalt  }
0x60: {  	_ =	shalt  }
0x61: {  	_ =	shalt  }
0x62: {  	_ =	shalt  }
0x63: {  	_ =	shalt  }
0x64: {  	_ =	shalt  }
0x65: {  	_ =	shalt  }
0x66: {  	_ =	shalt  }
0x67: {  	_ =	shalt  }
0x68: {  	_ =	shalt  }
0x69: {  	_ =	shalt  }
0x6a: {  	_ =	shalt  }
0x6b: {  	_ =	shalt  }
0x6c: {  	_ =	shalt  }
0x6d: {  	_ =	shalt  }
0x6e: {  	_ =	shalt  }
0x6f: {  	_ =	shalt  }
0x70: {  	_ =	shalt  }
0x71: {  	_ =	shalt  }
0x72: {  	_ =	shalt  }
0x73: {  	_ =	shalt  }
0x74: {  	_ =	shalt  }
0x75: {  	_ =	shalt  }
0x76: {  	_ =	shalt  }
0x77: {  	_ =	shalt  }
0x78: {  	_ =	shalt  }
0x79: {  	_ =	shalt  }
0x7a: {  	_ =	shalt  }
0x7b: {  	_ =	shalt  }
0x7c: {  	_ =	shalt  }
0x7d: {  	_ =	shalt  }
0x7e: {  	_ =	shalt  }
0x7f: {  	_ =	shalt  }
0x80: {  	_ =	shalt  }
0x81: {  	_ =	shalt  }
0x82: {  	_ =	shalt  }
0x83: {  	_ =	shalt  }
0x84: {  	_ =	shalt  }
0x85: {  	_ =	shalt  }
0x86: {  	_ =	shalt  }
0x87: {  	_ =	shalt  }
.Lfunc_end0:
.L_simem_size_0:
called_computation_lowered:
.L_overlay_start_0:
0x88: {  	s2 =	sld [smem:$0x3FD9]  }
0x89: {  	s3 =	sld [smem:$0x3FFE];
	_ =	sdelay $0x1  }
0x8a: {  	s1 =	srdreg.scid  }
0x8b: {  	s0 =	sand.u32 $0x1, s1  }
0x8c: {  	s18 =	sshll.u32 s0, $0xA;
	s2 =	sadd.s32 s3, s2  }
0x8d: {  	s2 =	sadd.s32 s2, s18  }
0x8e: {  	[smem:$0x3FC7] =	sst s2  }
0x8f: {  	_ = 	snop  }
0x90: {  	s2 =	sld [smem:$0x3FC9]  }
0x91: {  	s19 =	sld [smem:$0x3FD0];
	(tm) =	ssettm $0x1  }
0x92: {  	s4 =	sld [smem:$0x3FFB];
	_ =	sdelay $0x3  }
0x93: {  	_ =	strace s4  }
0x94: {  	s4 =	sld [smem:$0x3FFC];
	_ =	sdelay $0x3  }
0x95: {  	_ =	strace s4  }
0x96: {  	s4 =	sld [smem:$0x3FFD];
	_ =	sdelay $0x3  }
0x97: {  	_ =	strace s4  }
0x98: {  	_ =	strace $0x8FFFFFFF  }
0x99: {  	s20 =	sld [smem:$0x3FDB];
	_ =	sdelay $0x1  }
0x9a: {  	s5 =	simm.s32 $_scs_section_size  }
0x9b: {  	s6 =	simm.s32 $_size__tile_overlayer_lowered;
	s7 =	simm.s32 $_tile_overlayer_lowered  }
0x9c: {  	s23 =	simm.s32 $0x1BFF;
	s22 =	sshll.u32 s7, $0x1;
	s4 =	sadd.s32 s5, s20  }
0x9d: {  	s8 =	simm.s32 $0x0;
	s21 =	sshll.u32 s6, $0x1;
	s6 =	sadd.s32 s22, s4  }
0x9e: {  	[timem:s8], [sflag:s23] =	dma.local [hbm:s6], s21  }
0x9f: {  	_ =	swait.ge [sflag:s23], s21  }
0xa0: {  	s5 =	ssub.s32 $0x0, s21;
	[sflag:s23] =	ssyncset.done $0x0  }
0xa1: {  	[sflag:s23] =	ssyncadd.s32 s5;
	_ =	sdelay $0x1  }
0xa2: {  	s24 =	simm.s32 $0x1B8B  }
0xa3: {  	_ =	swait.ge [sflag:s24], $0x1  }
0xa4: {  	[sflag:s24] =	ssyncset.done $0x0  }
0xa5: {  	s25 =	simm.s32 $0x1B8E;
	[sflag:s24] =	ssyncadd.s32 $0xFFFFFFFF  }
0xa6: {  	s26 =	simm.s32 $execute0_lowered;
	[smem:$0x3FD2] =	sst s25  }
0xa7: {  	s5 =	sshll.u32 s26, $0x1;
	_ =	strace $0x80000046;
	[dreg:$0x1] =	wrdreg $0xFFFFFFFF  }
0xa8: {  	s28 =	simm.s32 $_size_execute0_lowered;
	s4 =	sadd.s32 s4, s5;
	[dreg:$0x0] =	wrdreg $0x0  }
0xa9: {  	s5 =	sshll.u32 s28, $0x1;
	[dreg:$0x2] =	wrdreg s4  }
0xaa: {  	[dreg:$0x3] =	wrdreg s5  }
0xab: {  	[dreg:$0x4] =	wrdreg $0xC0  }
0xac: {  	_ =	task [dreg:s8], $0x5FFFF  }
0xad: {  	[dreg:$0x1] =	wrdreg $0xFFFFFFFF  }
0xae: {  	[dreg:$0x0] =	wrdreg $0x60  }
0xaf: {  	[dreg:$0x2] =	wrdreg s2  }
0xb0: {  	[dreg:$0x3] =	wrdreg s19  }
0xb1: {  	[dreg:$0x4] =	wrdreg $0x9  }
0xb2: {  	_ =	task.clear_ibuf [dreg:s8], $0x5FFFF;
	_ =	strace $0x90000046  }
0xb3: {  	s29 =	simm.s32 $0x9;
	_ =	strace $0x80000048  }
0xb4: {  	_ =	swait.ge [sflag:s29], $0x1  }
0xb5: {  	[sflag:s29] =	ssyncadd.s32 $0xFFFFFFFF  }
0xb6: {  	_ =	strace $0x90000048  }
0xb7: {  	_ =	sfence  }
0xb8: {  	s30 =	sld [smem:$0x0];
	_ =	sdelay $0x2  }
0xb9: {  	s31 =	sshll.u32 s1, $0xD;
	s1 =	sshrl.u32 s1, $0x2  }
0xba: {  	s3 =	sand.u32 $0x4000, s31;
	s1 =	sadd.s32 s1, s30  }
0xbb: {  	s0 =	sor.u32 s3, s0;
	s1 =	sshll.u32 s1, $0x11  }
0xbc: {  	s0 =	sor.u32 s1, s0  }
0xbd: {  	s0 =	sadd.s32 $0x8F2B, s0  }
0xbe: {  	[sflag:s0] =	ssyncadd.remote.s32 $0x1  }
0xbf: {  	_ =	sfence.sel $0xFFFF  }
0xc0: {  	[dreg:$0x0] =	wrdreg $0xFFFFFFFF;
	(pc) =	sbr.abs _section_cstart, $3  }
0xc1: {  	[dreg:$0x1] =	wrdreg $0xFFFFFFFF  }
0xc2: {  	_ =	task.clear_ibuf [dreg:s8], $0x2FFFF;
	_ =	strace $0x9FFFFFFF  }
0xc3: {  	(tm) =	ssettm $0x7FFFFFFF  }
tec
execute0_lowered:
.L_overlay_start_1:
0x0: {  	(tag) =	ssettag $0x1  }
0x1: {  	s1 =	rddreg [dreg:$0x0]  }
0x2: {  	s4 =	rddreg [dreg:$0x1]  }
0x3: {  	s0 =	rddreg [dreg:$0x2];
	s5 =	srdreg.scid  }
0x4: {  	s3 =	simm.s32 $0x0;
	s2 =	stileid.u32;
	s10 =	simm.s32 $0x100  }
0x5: {  	s11 =	simm.s32 $0x1200;
	s12 =	simm.s32 $0x180;
	s13 =	simm.s32 $0x1A00  }
0x6: {  	s14 =	simm.s32 $0x1;
	s15 =	simm.s32 $0x2;
	s16 =	simm.s32 $0x3  }
0x7: {  	s17 =	simm.s32 $0x4;
	s18 =	simm.s32 $0x2200;
	s19 =	simm.s32 $0x5  }
0x8: {  	s20 =	simm.s32 $0x0;
	s6 =	sand.u32 $0x1, s5;
	s7 =	sshll.u32 s2, $0x9  }
0x9: {  	[smem:$0x7FF] =	sst s3;
	s31 =	sshll.u32 s2, $0xA;
	s5 =	ssub.s32 $0x2, s6  }
0xa: {  	s8 =	sshll.u32 s6, $0x8;
	_ =	strace $0x80000047;
	s6 =	sshll.u32 s6, $0x9  }
0xb: {  	v1 =	vlaneseq.u32;
	s9 =	sshrl.u32 s5, $0x1;
	s7 =	sor.u32 s8, s7;
	s6 =	sor.u32 s6, s31  }
0xc: {  	v0 =	vmul.u32 $0x8, v1;
	s8 =	simm.s32 $0x200;
	s5 =	ssub.s32 s5, s9;
	s4 =	sadd.s32 s4, s7  }
0xd: {  	v1 =	vmul.u32 $0x10, v1;
	s7 =	simm.s32 $0x80;
	s9 =	simm.s32 $0xA00;
	s5 =	smax.u32 s5, $0x1  }
.LBB2_1:
0xe: {  	s21 =	sadd.s32 $0x0, s6  }
0xf: {  	v2 =	vmov s21;
	s22 =	sadd.s32 $0x10, s21;
	s23 =	sadd.s32 $0x70, s21  }
0x10: {  	s29 =	sadd.s32 $0x20, s21;
	s24 =	sadd.s32 $0x30, s21;
	s30 =	sadd.s32 $0x40, s21;
	v2 =	vshll.u32 v2, $0x3;
	v3 =	vmov s22;
	v4 =	vmov s23  }
0x11: {  	s31 =	sadd.s32 $0x50, s21;
	s21 =	sadd.s32 $0x60, s21;
	v5 =	vmov s29;
	v6 =	vmov s24;
	v7 =	vmov s30  }
0x12: {  	v8 =	vmov s31;
	v9 =	vmov s21;
	v4 =	vshll.u32 v4, $0x3  }
0x13: {  	v3 =	vshll.u32 v3, $0x3;
	v5 =	vshll.u32 v5, $0x3;
	v10 =	vshll.u32 v6, $0x3  }
0x14: {  	s21 =	simm.s32 $0x40;
	v11 =	vshll.u32 v7, $0x3;
	v8 =	vshll.u32 v8, $0x3;
	v4 =	vor.u32 v0, v4  }
0x15: {  	v3 =	vor.u32 v0, v3;
	v6 =	vor.u32 v0, v5;
	v7 =	vor.u32 v0, v10;
	[tilespmem:s21+$0x30] =	vst v4  }
0x16: {  	s23 =	sadd.s32 $0x80, s6;
	s24 =	simm.s32 $0x100;
	s22 =	simm.s32 $0x40;
	v5 =	vor.u32 v0, v11;
	v4 =	vshll.u32 v9, $0x3;
	[tilespmem:s21+$0xFFFFFFD0] =	vst v3;
	v3 =	vor.u32 v0, v8  }
.LBB2_2:
0x17: {  	p0 =	sne.s32 s24, $0x180;
	v8 =	vmov s23;
	s25 =	sadd.s32 $0x10, s23;
	s26 =	sadd.s32 $0x70, s23;
	v9 =	vor.u32 v0, v2;
	[tilespmem:s21+$0xFFFFFFE0] =	vst v6;
	v4 =	vor.u32 v0, v4  }
0x18: {  	s28 =	sadd.s32 $0x30, s23;
	s29 =	sadd.s32 $0x40, s23;
	v2 =	vshll.u32 v8, $0x3;
	v6 =	vmov s25;
	s25 =	sadd.s32 $0x20, s23;
	v8 =	vmov s26;
	[tilespmem:s21+$0xFFFFFFF0] =	vst v7  }
0x19: {  	v10 =	vmov s28;
	v7 =	vmov s25;
	s25 =	sadd.s32 $0x50, s23;
	s23 =	sadd.s32 $0x60, s23;
	v8 =	vshll.u32 v8, $0x3;
	[tilespmem:s21+$0x0] =	vst v5  }
.Ltmp0:
0x1a: {  	v5 =	vmov s29;
	s21 =	sadd.s32 $0x80, s21;
	v11 =	vmov s25;
	v8 =	vor.u32 v0, v8;
	[tilespmem:s22+$0x10] =	vst v3;
	(pc) =	sbr.rel @p0 .LBB2_2-.Ltmp0, $4  }
0x1b: {  	v3 =	vshll.u32 v6, $0x3;
	v6 =	vshll.u32 v7, $0x3;
	v7 =	vmov s23;
	[tilespmem:s21+$0x30] =	vst v8  }
0x1c: {  	v5 =	vshll.u32 v5, $0x3;
	v8 =	vshll.u32 v10, $0x3;
	v10 =	vshll.u32 v11, $0x3;
	[tilespmem:s22+$0x20] =	vst v4  }
0x1d: {  	v3 =	vor.u32 v0, v3;
	v6 =	vor.u32 v0, v6;
	v4 =	vshll.u32 v7, $0x3;
	[tilespmem:s22+$0xFFFFFFC0] =	vst v9;
	s22 =	smov.u32 s21  }
0x1e: {  	s23 =	sadd.s32 s24, s6;
	s24 =	sadd.s32 $0x80, s24;
	v5 =	vor.u32 v0, v5;
	v7 =	vor.u32 v0, v8;
	[tilespmem:s21+$0xFFFFFFD0] =	vst v3;
	v3 =	vor.u32 v0, v10  }
0x1f: {  	[tilespmem:s21+$0xFFFFFFE0] =	vst v6  }
0x20: {  	s24 =	sadd.s32 $0x70, s23;
	[tilespmem:s21+$0xFFFFFFF0] =	vst v7  }
0x21: {  	[tilespmem:s21+$0x0] =	vst v5;
	s29 =	sadd.s32 $0x10, s23;
	v2 =	vor.u32 v0, v2;
	v6 =	vmov s24  }
0x22: {  	[tilespmem:s22+$0x10] =	vst v3;
	v3 =	vor.u32 v0, v4;
	v4 =	vmov s29;
	v6 =	vshll.u32 v6, $0x3  }
0x23: {  	s30 =	sadd.s32 $0x80, s21;
	s26 =	sadd.s32 $0x40, s23;
	[tilespmem:s22+$0xFFFFFFC0] =	vst v2;
	v4 =	vshll.u32 v4, $0x3;
	v5 =	vor.u32 v0, v6  }
0x24: {  	s31 =	sadd.s32 $0x20, s23;
	v2 =	vmov s26;
	v4 =	vor.u32 v0, v4;
	[tilespmem:s30+$0x30] =	vst v5  }
0x25: {  	s25 =	sadd.s32 $0x30, s23;
	v2 =	vshll.u32 v2, $0x3;
	v5 =	vmov s31;
	[tilespmem:s30+$0xFFFFFFD0] =	vst v4  }
0x26: {  	s28 =	sadd.s32 $0x50, s23;
	v2 =	vor.u32 v0, v2;
	[tilespmem:s22+$0x20] =	vst v3;
	v3 =	vmov s25;
	v5 =	vshll.u32 v5, $0x3  }
0x27: {  	s29 =	sadd.s32 $0x60, s23;
	v4 =	vmov s28;
	v3 =	vshll.u32 v3, $0x3;
	v5 =	vor.u32 v0, v5;
	[tilespmem:s30+$0x0] =	vst v2  }
0x28: {  	v4 =	vshll.u32 v4, $0x3;
	v3 =	vor.u32 v0, v3;
	[tilespmem:s30+$0xFFFFFFE0] =	vst v5;
	v5 =	vmov s29  }
0x29: {  	v4 =	vor.u32 v0, v4;
	[tilespmem:s30+$0xFFFFFFF0] =	vst v3;
	v3 =	vmov s23;
	v5 =	vshll.u32 v5, $0x3  }
0x2a: {  	[tilespmem:s30+$0x10] =	vst v4;
	v2 =	vshll.u32 v3, $0x3;
	v3 =	vor.u32 v0, v5  }
0x2b: {  	v2 =	vor.u32 v0, v2;
	[tilespmem:s30+$0x20] =	vst v3  }
0x2c: {  	[tilespmem:s30+$0xFFFFFFC0] =	vst v2;
	s30 =	simm.s32 $0x0  }
0x2d: {  	[tilespmem:s8], [sflag:$0x1] =	stream.indirect.gather [hbm4b:s1+s7], $0x10, s30, s7, $0xb8;
	[tilespmem:$0x2A00] =	vst v63  }
0x2e: {  	_ = 	snop  }
0x2f: {  	v2 =	vmov s30;
	[tilespmem:s9], [sflag:$0x2] =	stream.indirect.gather [hbm4b:s1+s7], $0x10, s7, s7, $0xb8;
	[tilespmem:$0x2A00] =	vst v63  }
0x30: {  	v2 =	vshll.u32 v2, $0x4  }
0x31: {  	v2 =	vor.u32 v1, v2;
	[tilespmem:s11], [sflag:$0x3] =	stream.indirect.gather [hbm4b:s1+s7], $0x10, s10, s7, $0xb8;
	[tilespmem:$0x2A00] =	vst v63  }
0x32: {  	v3 =	vor.u32 $0x5, v2  }
0x33: {  	[tilespmem:s13], [sflag:$0x4] =	stream.indirect.gather [hbm4b:s1+s7], $0x10, s12, s7, $0xb8;
	[tilespmem:$0x2A00] =	vst v63  }
0x34: {  	_ =	swait.ge [sflag:s14], $0x800  }
0x35: {  	[sflag:s14] =	ssyncset.done $0x0  }
0x36: {  	[sflag:s14] =	ssyncadd.s32 $0xFFFFF800  }
0x37: {  	v3 =	vld.idx.msk [tilespmem:v3+s8+$0x0], $0xffff;
	_ =	sdelay $0x4  }
0x38: {  	(erf) = vrcp.f32 v3;
	_ =	sdelay $0x3  }
0x39: {  	v3 =	vor.u32 $0x6, v2;
	_ =	sdelay $0x4  }
0x3a: {  	v3 =	vld.idx.msk [tilespmem:v3+s8+$0x0], $0xffff;
	v4 =	vpop (erf)  }
0x3b: {  	v4 =	vadd.f32 $-1.000000000e+00, v4;
	_ =	sdelay $0x1  }
0x3c: {  	v5 =	vor.u32 $0x4, v2;
	(erf) = vrcp.f32 v4;
	_ =	sdelay $0x1  }
0x3d: {  	(erf) = vrcp.f32 v3;
	_ =	sdelay $0x1  }
0x3e: {  	v2 =	vor.u32 $0x7, v2  }
0x3f: {  	v3 =	vld.idx.msk [tilespmem:v5+s8+$0x0], $0xffff;
	_ =	sdelay $0x3  }
0x40: {  	v6 =	vld.idx.msk [tilespmem:v2+s8+$0x0], $0xffff;
	v2 =	vpop (erf)  }
0x41: {  	v7 =	vmul.f32 v2, v3  }
0x42: {  	s31 =	simm.s32 $0x10;
	v2 =	vpop (erf)  }
0x43: {  	v4 =	vmov s31;
	v2 =	vmul.f32 v7, v2  }
0x44: {  	v4 =	vshll.u32 v4, $0x4  }
0x45: {  	s22 =	simm.s32 $0x2300;
	v10 =	vsub.f32 $1.000000000e+00, v6;
	v8 =	vor.u32 v1, v4;
	v9 =	vsub.f32 v2, v7  }
0x46: {  	v5 =	vor.u32 $0x5, v8;
	v4 =	vor.u32 $0x6, v8;
	[tilespmem:s22+$0xFFFFFF00] =	vst v3;
	v3 =	vor.u32 $0x7, v8  }
0x47: {  	s21 =	simm.s32 $0x2300;
	s23 =	simm.s32 $0x20;
	[tilespmem:s22+$0xFFFFFF80] =	vst v7;
	v2 =	vor.u32 $0x4, v8;
	v7 =	vmul.f32 v9, v10;
	v6 =	vmul.f32 v9, v6  }
.LBB2_4:
0x48: {  	p0 =	sne.s32 s23, $0x70  }
0x49: {  	s21 =	sadd.s32 $0x10, s21;
	s24 =	smov.u32 s23;
	s23 =	sadd.s32 $0x10, s23;
	[tilespmem:s22+$0x0] =	vst v7  }
0x4a: {  	[tilespmem:s22+$0x80] =	vst v6;
	s22 =	smov.u32 s21  }
0x4b: {  	v5 =	vld.idx.msk [tilespmem:v5+s8+$0x0], $0xffff;
	_ =	sdelay $0x5  }
0x4c: {  	(erf) = vrcp.f32 v5;
	_ =	sdelay $0x7  }
0x4d: {  	v4 =	vld.idx.msk [tilespmem:v4+s8+$0x0], $0xffff  }
0x4e: {  	v5 =	vpop (erf)  }
0x4f: {  	v5 =	vadd.f32 $-1.000000000e+00, v5;
	_ =	sdelay $0x1  }
0x50: {  	(erf) = vrcp.f32 v5;
	_ =	sdelay $0x1  }
0x51: {  	(erf) = vrcp.f32 v4;
	_ =	sdelay $0x1  }
0x52: {  	v2 =	vld.idx.msk [tilespmem:v2+s8+$0x0], $0xffff;
	_ =	sdelay $0x3  }
0x53: {  	v6 =	vld.idx.msk [tilespmem:v3+s8+$0x0], $0xffff  }
0x54: {  	v3 =	vpop (erf)  }
0x55: {  	v3 =	vmul.f32 v3, v2;
	[tilespmem:s21+$0xFFFFFF00] =	vst v2  }
0x56: {  	v2 =	vpop (erf)  }
.Ltmp1:
0x57: {  	v4 =	vmov s24;
	v2 =	vmul.f32 v3, v2;
	[tilespmem:s21+$0xFFFFFF80] =	vst v3;
	(pc) =	sbr.rel @p0 .LBB2_4-.Ltmp1, $4  }
0x58: {  	v4 =	vshll.u32 v4, $0x4  }
0x59: {  	v7 =	vor.u32 v1, v4;
	v9 =	vsub.f32 $1.000000000e+00, v6;
	v8 =	vsub.f32 v2, v3  }
0x5a: {  	v5 =	vor.u32 $0x5, v7;
	v4 =	vor.u32 $0x6, v7;
	v2 =	vor.u32 $0x4, v7  }
0x5b: {  	v3 =	vor.u32 $0x7, v7;
	v7 =	vmul.f32 v8, v9;
	v6 =	vmul.f32 v8, v6  }
0x5c: {  	_ =	sdelay $0x1  }
0x5d: {  	[tilespmem:s22+$0x0] =	vst v7  }
0x5e: {  	[tilespmem:s22+$0x80] =	vst v6  }
0x5f: {  	v5 =	vld.idx.msk [tilespmem:v5+s8+$0x0], $0xffff;
	_ =	sdelay $0x4  }
0x60: {  	(erf) = vrcp.f32 v5;
	_ =	sdelay $0x8  }
0x61: {  	v4 =	vld.idx.msk [tilespmem:v4+s8+$0x0], $0xffff;
	v5 =	vpop (erf)  }
0x62: {  	v5 =	vadd.f32 $-1.000000000e+00, v5;
	_ =	sdelay $0x1  }
0x63: {  	(erf) = vrcp.f32 v5;
	_ =	sdelay $0x1  }
0x64: {  	(erf) = vrcp.f32 v4;
	_ =	sdelay $0x2  }
0x65: {  	v2 =	vld.idx.msk [tilespmem:v2+s8+$0x0], $0xffff;
	_ =	sdelay $0x3  }
0x66: {  	v3 =	vld.idx.msk [tilespmem:v3+s8+$0x0], $0xffff;
	v4 =	vpop (erf)  }
0x67: {  	v4 =	vmul.f32 v4, v2  }
0x68: {  	v5 =	vpop (erf)  }
0x69: {  	v5 =	vmul.f32 v4, v5;
	_ =	sdelay $0x1  }
0x6a: {  	s30 =	simm.s32 $0x80;
	v6 =	vsub.f32 $1.000000000e+00, v3;
	v5 =	vsub.f32 v5, v4  }
0x6b: {  	s21 =	sadd.s32 $0x10, s21;
	v7 =	vmov s30  }
0x6c: {  	[tilespmem:s21+$0xFFFFFF00] =	vst v2;
	v2 =	vmul.f32 v5, v6;
	v6 =	vshll.u32 v7, $0x4  }
0x6d: {  	[tilespmem:s21+$0xFFFFFF80] =	vst v4;
	v3 =	vmul.f32 v5, v3;
	v4 =	vor.u32 v1, v6  }
0x6e: {  	[tilespmem:s21+$0x0] =	vst v2;
	v2 =	vor.u32 $0x5, v4  }
0x6f: {  	[tilespmem:s21+$0x80] =	vst v3  }
0x70: {  	_ =	swait.ge [sflag:s15], $0x800  }
0x71: {  	[sflag:s15] =	ssyncset.done $0x0  }
0x72: {  	[sflag:s15] =	ssyncadd.s32 $0xFFFFF800  }
0x73: {  	v2 =	vld.idx.msk [tilespmem:v2+s8+$0x0], $0xffff;
	_ =	sdelay $0x4  }
0x74: {  	(erf) = vrcp.f32 v2;
	_ =	sdelay $0x3  }
0x75: {  	v2 =	vor.u32 $0x6, v4;
	_ =	sdelay $0x4  }
0x76: {  	v2 =	vld.idx.msk [tilespmem:v2+s8+$0x0], $0xffff;
	v3 =	vpop (erf)  }
0x77: {  	v3 =	vadd.f32 $-1.000000000e+00, v3;
	_ =	sdelay $0x1  }
0x78: {  	v5 =	vor.u32 $0x4, v4;
	(erf) = vrcp.f32 v3;
	_ =	sdelay $0x1  }
0x79: {  	(erf) = vrcp.f32 v2;
	_ =	sdelay $0x1  }
0x7a: {  	v2 =	vor.u32 $0x7, v4  }
0x7b: {  	v3 =	vld.idx.msk [tilespmem:v5+s8+$0x0], $0xffff;
	_ =	sdelay $0x3  }
0x7c: {  	v6 =	vld.idx.msk [tilespmem:v2+s8+$0x0], $0xffff;
	v2 =	vpop (erf)  }
0x7d: {  	v7 =	vmul.f32 v2, v3  }
0x7e: {  	s31 =	simm.s32 $0x90;
	v2 =	vpop (erf)  }
0x7f: {  	v4 =	vmov s31;
	v2 =	vmul.f32 v7, v2  }
0x80: {  	v4 =	vshll.u32 v4, $0x4  }
0x81: {  	s22 =	simm.s32 $0x2580;
	v8 =	vor.u32 v1, v4;
	v10 =	vsub.f32 $1.000000000e+00, v6;
	v9 =	vsub.f32 v2, v7  }
0x82: {  	v5 =	vor.u32 $0x5, v8;
	v4 =	vor.u32 $0x6, v8;
	[tilespmem:s22+$0xFFFFFE80] =	vst v3;
	v3 =	vor.u32 $0x7, v8  }
0x83: {  	s23 =	simm.s32 $0xA0;
	s21 =	simm.s32 $0x2580;
	[tilespmem:s22+$0xFFFFFF00] =	vst v7;
	v2 =	vor.u32 $0x4, v8;
	v7 =	vmul.f32 v9, v10;
	v6 =	vmul.f32 v9, v6  }
.LBB2_6:
0x84: {  	p0 =	sne.s32 s23, $0xF0  }
0x85: {  	s21 =	sadd.s32 $0x10, s21;
	s24 =	smov.u32 s23;
	s23 =	sadd.s32 $0x10, s23;
	[tilespmem:s22+$0xFFFFFF80] =	vst v7  }
0x86: {  	[tilespmem:s22+$0x0] =	vst v6;
	s22 =	smov.u32 s21  }
0x87: {  	v5 =	vld.idx.msk [tilespmem:v5+s8+$0x0], $0xffff;
	_ =	sdelay $0x5  }
0x88: {  	(erf) = vrcp.f32 v5;
	_ =	sdelay $0x7  }
0x89: {  	v4 =	vld.idx.msk [tilespmem:v4+s8+$0x0], $0xffff  }
0x8a: {  	v5 =	vpop (erf)  }
0x8b: {  	v5 =	vadd.f32 $-1.000000000e+00, v5;
	_ =	sdelay $0x1  }
0x8c: {  	(erf) = vrcp.f32 v5;
	_ =	sdelay $0x1  }
0x8d: {  	(erf) = vrcp.f32 v4;
	_ =	sdelay $0x1  }
0x8e: {  	v2 =	vld.idx.msk [tilespmem:v2+s8+$0x0], $0xffff;
	_ =	sdelay $0x3  }
0x8f: {  	v6 =	vld.idx.msk [tilespmem:v3+s8+$0x0], $0xffff  }
0x90: {  	v3 =	vpop (erf)  }
0x91: {  	v3 =	vmul.f32 v3, v2;
	[tilespmem:s21+$0xFFFFFE80] =	vst v2  }
0x92: {  	v2 =	vpop (erf)  }
.Ltmp2:
0x93: {  	v4 =	vmov s24;
	v2 =	vmul.f32 v3, v2;
	[tilespmem:s21+$0xFFFFFF00] =	vst v3;
	(pc) =	sbr.rel @p0 .LBB2_6-.Ltmp2, $4  }
0x94: {  	v4 =	vshll.u32 v4, $0x4  }
0x95: {  	v7 =	vor.u32 v1, v4;
	v9 =	vsub.f32 $1.000000000e+00, v6;
	v8 =	vsub.f32 v2, v3  }
0x96: {  	v5 =	vor.u32 $0x5, v7;
	v4 =	vor.u32 $0x6, v7;
	v2 =	vor.u32 $0x4, v7  }
0x97: {  	v3 =	vor.u32 $0x7, v7;
	v7 =	vmul.f32 v8, v9;
	v6 =	vmul.f32 v8, v6  }
0x98: {  	_ =	sdelay $0x1  }
0x99: {  	[tilespmem:s22+$0xFFFFFF80] =	vst v7  }
0x9a: {  	[tilespmem:s22+$0x0] =	vst v6  }
0x9b: {  	v5 =	vld.idx.msk [tilespmem:v5+s8+$0x0], $0xffff;
	_ =	sdelay $0x4  }
0x9c: {  	(erf) = vrcp.f32 v5;
	_ =	sdelay $0x8  }
0x9d: {  	v4 =	vld.idx.msk [tilespmem:v4+s8+$0x0], $0xffff;
	v5 =	vpop (erf)  }
0x9e: {  	v5 =	vadd.f32 $-1.000000000e+00, v5;
	_ =	sdelay $0x1  }
0x9f: {  	(erf) = vrcp.f32 v5;
	_ =	sdelay $0x1  }
0xa0: {  	(erf) = vrcp.f32 v4;
	_ =	sdelay $0x2  }
0xa1: {  	v2 =	vld.idx.msk [tilespmem:v2+s8+$0x0], $0xffff;
	_ =	sdelay $0x3  }
0xa2: {  	v3 =	vld.idx.msk [tilespmem:v3+s8+$0x0], $0xffff;
	v4 =	vpop (erf)  }
0xa3: {  	v4 =	vmul.f32 v4, v2  }
0xa4: {  	v5 =	vpop (erf)  }
0xa5: {  	v5 =	vmul.f32 v4, v5;
	_ =	sdelay $0x1  }
0xa6: {  	s30 =	simm.s32 $0x100;
	v6 =	vsub.f32 $1.000000000e+00, v3;
	v5 =	vsub.f32 v5, v4  }
0xa7: {  	s21 =	sadd.s32 $0x10, s21;
	v7 =	vmov s30  }
0xa8: {  	[tilespmem:s21+$0xFFFFFE80] =	vst v2;
	v2 =	vmul.f32 v5, v6;
	v6 =	vshll.u32 v7, $0x4  }
0xa9: {  	[tilespmem:s21+$0xFFFFFF00] =	vst v4;
	v3 =	vmul.f32 v5, v3;
	v4 =	vor.u32 v1, v6  }
0xaa: {  	[tilespmem:s21+$0xFFFFFF80] =	vst v2;
	v2 =	vor.u32 $0x5, v4  }
0xab: {  	[tilespmem:s21+$0x0] =	vst v3  }
0xac: {  	_ =	swait.ge [sflag:s16], $0x800  }
0xad: {  	[sflag:s16] =	ssyncset.done $0x0  }
0xae: {  	[sflag:s16] =	ssyncadd.s32 $0xFFFFF800  }
0xaf: {  	v2 =	vld.idx.msk [tilespmem:v2+s8+$0x0], $0xffff;
	_ =	sdelay $0x4  }
0xb0: {  	(erf) = vrcp.f32 v2;
	_ =	sdelay $0x3  }
0xb1: {  	v2 =	vor.u32 $0x6, v4;
	_ =	sdelay $0x4  }
0xb2: {  	v2 =	vld.idx.msk [tilespmem:v2+s8+$0x0], $0xffff;
	v3 =	vpop (erf)  }
0xb3: {  	v3 =	vadd.f32 $-1.000000000e+00, v3;
	_ =	sdelay $0x1  }
0xb4: {  	v5 =	vor.u32 $0x4, v4;
	(erf) = vrcp.f32 v3;
	_ =	sdelay $0x1  }
0xb5: {  	(erf) = vrcp.f32 v2;
	_ =	sdelay $0x1  }
0xb6: {  	v2 =	vor.u32 $0x7, v4  }
0xb7: {  	v3 =	vld.idx.msk [tilespmem:v5+s8+$0x0], $0xffff;
	_ =	sdelay $0x3  }
0xb8: {  	v6 =	vld.idx.msk [tilespmem:v2+s8+$0x0], $0xffff;
	v2 =	vpop (erf)  }
0xb9: {  	v7 =	vmul.f32 v2, v3  }
0xba: {  	s31 =	simm.s32 $0x110;
	v2 =	vpop (erf)  }
0xbb: {  	v4 =	vmov s31;
	v2 =	vmul.f32 v7, v2  }
0xbc: {  	v4 =	vshll.u32 v4, $0x4  }
0xbd: {  	s22 =	simm.s32 $0x2780;
	v8 =	vor.u32 v1, v4;
	v10 =	vsub.f32 $1.000000000e+00, v6;
	v9 =	vsub.f32 v2, v7  }
0xbe: {  	v5 =	vor.u32 $0x5, v8;
	v4 =	vor.u32 $0x6, v8;
	[tilespmem:s22+$0xFFFFFE80] =	vst v3;
	v3 =	vor.u32 $0x7, v8  }
0xbf: {  	s23 =	simm.s32 $0x120;
	s21 =	simm.s32 $0x2780;
	[tilespmem:s22+$0xFFFFFF00] =	vst v7;
	v2 =	vor.u32 $0x4, v8;
	v7 =	vmul.f32 v9, v10;
	v6 =	vmul.f32 v9, v6  }
.LBB2_8:
0xc0: {  	p0 =	sne.s32 s23, $0x170  }
0xc1: {  	s21 =	sadd.s32 $0x10, s21;
	s24 =	smov.u32 s23;
	s23 =	sadd.s32 $0x10, s23;
	[tilespmem:s22+$0xFFFFFF80] =	vst v7  }
0xc2: {  	[tilespmem:s22+$0x0] =	vst v6;
	s22 =	smov.u32 s21  }
0xc3: {  	v5 =	vld.idx.msk [tilespmem:v5+s8+$0x0], $0xffff;
	_ =	sdelay $0x5  }
0xc4: {  	(erf) = vrcp.f32 v5;
	_ =	sdelay $0x7  }
0xc5: {  	v4 =	vld.idx.msk [tilespmem:v4+s8+$0x0], $0xffff  }
0xc6: {  	v5 =	vpop (erf)  }
0xc7: {  	v5 =	vadd.f32 $-1.000000000e+00, v5;
	_ =	sdelay $0x1  }
0xc8: {  	(erf) = vrcp.f32 v5;
	_ =	sdelay $0x1  }
0xc9: {  	(erf) = vrcp.f32 v4;
	_ =	sdelay $0x1  }
0xca: {  	v2 =	vld.idx.msk [tilespmem:v2+s8+$0x0], $0xffff;
	_ =	sdelay $0x3  }
0xcb: {  	v6 =	vld.idx.msk [tilespmem:v3+s8+$0x0], $0xffff  }
0xcc: {  	v3 =	vpop (erf)  }
0xcd: {  	v3 =	vmul.f32 v3, v2;
	[tilespmem:s21+$0xFFFFFE80] =	vst v2  }
0xce: {  	v2 =	vpop (erf)  }
.Ltmp3:
0xcf: {  	v4 =	vmov s24;
	v2 =	vmul.f32 v3, v2;
	[tilespmem:s21+$0xFFFFFF00] =	vst v3;
	(pc) =	sbr.rel @p0 .LBB2_8-.Ltmp3, $4  }
0xd0: {  	v4 =	vshll.u32 v4, $0x4  }
0xd1: {  	v7 =	vor.u32 v1, v4;
	v9 =	vsub.f32 $1.000000000e+00, v6;
	v8 =	vsub.f32 v2, v3  }
0xd2: {  	v5 =	vor.u32 $0x5, v7;
	v4 =	vor.u32 $0x6, v7;
	v2 =	vor.u32 $0x4, v7  }
0xd3: {  	v3 =	vor.u32 $0x7, v7;
	v7 =	vmul.f32 v8, v9;
	v6 =	vmul.f32 v8, v6  }
0xd4: {  	_ =	sdelay $0x1  }
0xd5: {  	[tilespmem:s22+$0xFFFFFF80] =	vst v7  }
0xd6: {  	[tilespmem:s22+$0x0] =	vst v6  }
0xd7: {  	v5 =	vld.idx.msk [tilespmem:v5+s8+$0x0], $0xffff;
	_ =	sdelay $0x4  }
0xd8: {  	(erf) = vrcp.f32 v5;
	_ =	sdelay $0x8  }
0xd9: {  	v4 =	vld.idx.msk [tilespmem:v4+s8+$0x0], $0xffff;
	v5 =	vpop (erf)  }
0xda: {  	v5 =	vadd.f32 $-1.000000000e+00, v5;
	_ =	sdelay $0x1  }
0xdb: {  	(erf) = vrcp.f32 v5;
	_ =	sdelay $0x1  }
0xdc: {  	(erf) = vrcp.f32 v4;
	_ =	sdelay $0x2  }
0xdd: {  	v2 =	vld.idx.msk [tilespmem:v2+s8+$0x0], $0xffff;
	_ =	sdelay $0x3  }
0xde: {  	v3 =	vld.idx.msk [tilespmem:v3+s8+$0x0], $0xffff;
	v4 =	vpop (erf)  }
0xdf: {  	v4 =	vmul.f32 v4, v2  }
0xe0: {  	v5 =	vpop (erf)  }
0xe1: {  	v5 =	vmul.f32 v4, v5;
	_ =	sdelay $0x1  }
0xe2: {  	s30 =	simm.s32 $0x180;
	v6 =	vsub.f32 $1.000000000e+00, v3;
	v5 =	vsub.f32 v5, v4  }
0xe3: {  	s21 =	sadd.s32 $0x10, s21;
	v7 =	vmov s30  }
0xe4: {  	[tilespmem:s21+$0xFFFFFE80] =	vst v2;
	v2 =	vmul.f32 v5, v6;
	v6 =	vshll.u32 v7, $0x4  }
0xe5: {  	[tilespmem:s21+$0xFFFFFF00] =	vst v4;
	v3 =	vmul.f32 v5, v3;
	v4 =	vor.u32 v1, v6  }
0xe6: {  	[tilespmem:s21+$0xFFFFFF80] =	vst v2;
	v2 =	vor.u32 $0x5, v4  }
0xe7: {  	[tilespmem:s21+$0x0] =	vst v3  }
0xe8: {  	_ =	swait.ge [sflag:s17], $0x800  }
0xe9: {  	[sflag:s17] =	ssyncset.done $0x0  }
0xea: {  	[sflag:s17] =	ssyncadd.s32 $0xFFFFF800  }
0xeb: {  	v2 =	vld.idx.msk [tilespmem:v2+s8+$0x0], $0xffff;
	_ =	sdelay $0x4  }
0xec: {  	(erf) = vrcp.f32 v2;
	_ =	sdelay $0x3  }
0xed: {  	v2 =	vor.u32 $0x6, v4;
	_ =	sdelay $0x4  }
0xee: {  	v2 =	vld.idx.msk [tilespmem:v2+s8+$0x0], $0xffff;
	v3 =	vpop (erf)  }
0xef: {  	v3 =	vadd.f32 $-1.000000000e+00, v3;
	_ =	sdelay $0x1  }
0xf0: {  	v5 =	vor.u32 $0x4, v4;
	(erf) = vrcp.f32 v3;
	_ =	sdelay $0x1  }
0xf1: {  	(erf) = vrcp.f32 v2;
	_ =	sdelay $0x1  }
0xf2: {  	v2 =	vor.u32 $0x7, v4  }
0xf3: {  	v3 =	vld.idx.msk [tilespmem:v5+s8+$0x0], $0xffff;
	_ =	sdelay $0x3  }
0xf4: {  	v6 =	vld.idx.msk [tilespmem:v2+s8+$0x0], $0xffff;
	v2 =	vpop (erf)  }
0xf5: {  	v7 =	vmul.f32 v2, v3  }
0xf6: {  	s31 =	simm.s32 $0x190;
	v2 =	vpop (erf)  }
0xf7: {  	v4 =	vmov s31;
	v2 =	vmul.f32 v7, v2  }
0xf8: {  	v4 =	vshll.u32 v4, $0x4  }
0xf9: {  	s22 =	simm.s32 $0x2980;
	v8 =	vor.u32 v1, v4;
	v10 =	vsub.f32 $1.000000000e+00, v6;
	v9 =	vsub.f32 v2, v7  }
0xfa: {  	v5 =	vor.u32 $0x5, v8;
	v4 =	vor.u32 $0x6, v8;
	[tilespmem:s22+$0xFFFFFE80] =	vst v3;
	v3 =	vor.u32 $0x7, v8  }
0xfb: {  	s23 =	simm.s32 $0x1A0;
	s21 =	simm.s32 $0x2980;
	[tilespmem:s22+$0xFFFFFF00] =	vst v7;
	v2 =	vor.u32 $0x4, v8;
	v7 =	vmul.f32 v9, v10;
	v6 =	vmul.f32 v9, v6  }
.LBB2_10:
0xfc: {  	p0 =	sne.s32 s23, $0x1F0  }
0xfd: {  	s21 =	sadd.s32 $0x10, s21;
	s24 =	smov.u32 s23;
	s23 =	sadd.s32 $0x10, s23;
	[tilespmem:s22+$0xFFFFFF80] =	vst v7  }
0xfe: {  	[tilespmem:s22+$0x0] =	vst v6;
	s22 =	smov.u32 s21  }
0xff: {  	v5 =	vld.idx.msk [tilespmem:v5+s8+$0x0], $0xffff;
	_ =	sdelay $0x5  }
0x100: {  	(erf) = vrcp.f32 v5;
	_ =	sdelay $0x7  }
0x101: {  	v4 =	vld.idx.msk [tilespmem:v4+s8+$0x0], $0xffff  }
0x102: {  	v5 =	vpop (erf)  }
0x103: {  	v5 =	vadd.f32 $-1.000000000e+00, v5;
	_ =	sdelay $0x1  }
0x104: {  	(erf) = vrcp.f32 v5;
	_ =	sdelay $0x1  }
0x105: {  	(erf) = vrcp.f32 v4;
	_ =	sdelay $0x1  }
0x106: {  	v2 =	vld.idx.msk [tilespmem:v2+s8+$0x0], $0xffff;
	_ =	sdelay $0x3  }
0x107: {  	v6 =	vld.idx.msk [tilespmem:v3+s8+$0x0], $0xffff  }
0x108: {  	v3 =	vpop (erf)  }
0x109: {  	v3 =	vmul.f32 v3, v2;
	[tilespmem:s21+$0xFFFFFE80] =	vst v2  }
0x10a: {  	v2 =	vpop (erf)  }
.Ltmp4:
0x10b: {  	v4 =	vmov s24;
	v2 =	vmul.f32 v3, v2;
	[tilespmem:s21+$0xFFFFFF00] =	vst v3;
	(pc) =	sbr.rel @p0 .LBB2_10-.Ltmp4, $4  }
0x10c: {  	v4 =	vshll.u32 v4, $0x4  }
0x10d: {  	v7 =	vor.u32 v1, v4;
	v9 =	vsub.f32 $1.000000000e+00, v6;
	v8 =	vsub.f32 v2, v3  }
0x10e: {  	v5 =	vor.u32 $0x5, v7;
	v4 =	vor.u32 $0x6, v7;
	v2 =	vor.u32 $0x4, v7  }
0x10f: {  	v3 =	vor.u32 $0x7, v7;
	v7 =	vmul.f32 v8, v9;
	v6 =	vmul.f32 v8, v6  }
0x110: {  	_ =	sdelay $0x1  }
0x111: {  	[tilespmem:s22+$0xFFFFFF80] =	vst v7  }
0x112: {  	[tilespmem:s22+$0x0] =	vst v6  }
0x113: {  	v5 =	vld.idx.msk [tilespmem:v5+s8+$0x0], $0xffff;
	_ =	sdelay $0x4  }
0x114: {  	(erf) = vrcp.f32 v5;
	_ =	sdelay $0x8  }
0x115: {  	v4 =	vld.idx.msk [tilespmem:v4+s8+$0x0], $0xffff;
	v5 =	vpop (erf)  }
0x116: {  	v5 =	vadd.f32 $-1.000000000e+00, v5;
	_ =	sdelay $0x1  }
0x117: {  	(erf) = vrcp.f32 v5;
	_ =	sdelay $0x1  }
0x118: {  	(erf) = vrcp.f32 v4;
	_ =	sdelay $0x2  }
0x119: {  	v2 =	vld.idx.msk [tilespmem:v2+s8+$0x0], $0xffff;
	_ =	sdelay $0x3  }
0x11a: {  	v3 =	vld.idx.msk [tilespmem:v3+s8+$0x0], $0xffff;
	v61 =	vpop (erf)  }
0x11b: {  	v4 =	vmul.f32 v61, v2  }
0x11c: {  	v62 =	vpop (erf)  }
0x11d: {  	v5 =	vmul.f32 v4, v62;
	_ =	sdelay $0x1  }
0x11e: {  	v63 =	vsub.f32 $1.000000000e+00, v3;
	v5 =	vsub.f32 v5, v4  }
0x11f: {  	s21 =	sadd.s32 $0x10, s21  }
0x120: {  	[tilespmem:s21+$0xFFFFFE80] =	vst v2;
	v2 =	vmul.f32 v5, v63  }
0x121: {  	s20 =	sadd.s32 $0x1, s20;
	[tilespmem:s21+$0xFFFFFF00] =	vst v4;
	v3 =	vmul.f32 v5, v3  }
0x122: {  	p0 =	sne.s32 s20, s5;
	[tilespmem:s21+$0xFFFFFF80] =	vst v2  }
.Ltmp5:
0x123: {  	[tilespmem:s21+$0x0] =	vst v3;
	(pc) =	sbr.rel @p0 .LBB2_1-.Ltmp5, $4  }
0x124: {  	[hbm4b:s4+s3] =	stream.linear.scatter [tilespmem:s18], [sflag:$0x5], $0x800, $0x38;
	[tilespmem:$0x2A00] =	vst v63  }
0x125: {  	_ =	swait.ge [sflag:s19], $0x800  }
0x126: {  	[sflag:s19] =	ssyncset.done $0x0  }
0x127: {  	[sflag:s19] =	ssyncadd.s32 $0xFFFFF800  }
0x128: {  	_ =	sfence.sel $0x180000  }
0x129: {  	[bflag:$0x0] =	sbarrier.arrive $0xFFFF  }
0x12a: {  	p0 =	sne.s32 s2, $0x0;
	_ =	strace $0x90000047  }
0x12b: {  	s0 =	sadd.s32 @!p0 $0x100000, s0;
	[bflag:$0x2] =	sbarrier.arrive $0xFFFF  }
0x12c: {  	[sflag:s0] =	ssyncadd.tile.s32 @!p0 $0x1;
	_ =	shalt  }
.Lfunc_end2:
_tile_overlayer_lowered:
.L_overlay_start_2:
0x12d: {  	(tag) =	ssettag $0x2  }
0x12e: {  	s0 =	rddreg [dreg:$0x0];
	s2 =	stileid.u32  }
0x12f: {  	s1 =	rddreg [dreg:$0x1];
	p0 =	sne.s32 s2, $0x0  }
0x130: {  	s3 =	rddreg [dreg:$0x2];
	[bflag:$0x3] =	sbarrier.arrive $0xFFFF;
	s2 =	simm.s32 @!p0 $0x1C05  }
0x131: {  	[timem:s3], [sflag:s2] =	dma.local @!p0 [hbm:s0], s1  }
0x132: {  	s0 =	simm.s32 @!p0 $0x5  }
0x133: {  	_ =	swait.ge @!p0 [sflag:s0], s1  }
0x134: {  	s1 =	ssub.s32 @!p0 $0x0, s1;
	[sflag:s0] =	ssyncset.done @!p0 $0x0  }
0x135: {  	[sflag:s0] =	ssyncadd.s32 @!p0 s1  }
0x136: {  	[bflag:$0x3] =	sbarrier.arrive $0xFFFF  }
0x137: {  	_ =	shalt  }

</sc_bundles>
